<compile_context>
chip_gen: v7x
topology: tpu7x:2x2x1
jax: 0.10.2.dev20260603
libtpu: 0.0.44.dev20260713+nightly
codegen_flags: <defaults>
</compile_context>

<pallas_src>
import functools

import jax
import jax.numpy as jnp
from jax import lax
from jax.experimental import pallas as pl
from jax.experimental.pallas import tpu as pltpu
from jax.experimental.pallas import tpu_sc as plsc

B = 1024
F = 26
L = 50
D = 64
NF = F - 1
VREST = 1001
TOTX = F * D + D
TOTP = 1792
BB = 256
NC = 2
NS = 16
NW = NC * NS

PW_E0 = B // NW
PW_ER = (B * NF) // NW
PW_SEQ = (B * L) // NW
CH = 80


def _gather_body(emb0_hbm, embr_hbm, idx0_hbm, idxr_hbm, idxs_hbm,
                 e0_out, er_out, seq_out, idx_v, rows_v, sem):
    wid = lax.axis_index("s") * NC + lax.axis_index("c")

    def phase(table, idxh, outh, per_w):
        base = wid * per_w
        pltpu.sync_copy(idxh.at[pl.ds(base, per_w)], idx_v.at[pl.ds(0, per_w)])
        nch = per_w // CH
        cps = []
        if nch == 0:
            cps.append(pltpu.async_copy(
                table.at[idx_v.at[pl.ds(0, per_w)]],
                rows_v.at[pl.ds(0, per_w)], sem))
        else:
            for j in range(nch):
                cps.append(pltpu.async_copy(
                    table.at[idx_v.at[pl.ds(j * CH, CH)]],
                    rows_v.at[pl.ds(j * CH, CH)], sem))
        for cp in cps:
            cp.wait()
        pltpu.sync_copy(rows_v.at[pl.ds(0, per_w)], outh.at[pl.ds(base, per_w)])

    phase(emb0_hbm, idx0_hbm, e0_out, PW_E0)
    phase(embr_hbm, idxr_hbm, er_out, PW_ER)
    phase(emb0_hbm, idxs_hbm, seq_out, PW_SEQ)


def _sc_gather(emb0, embr, idx0, idxr, idxs):
    mesh = plsc.VectorSubcoreMesh(core_axis_name="c", subcore_axis_name="s")
    k = functools.partial(
        pl.kernel,
        mesh=mesh,
        compiler_params=pltpu.CompilerParams(use_tc_tiling_on_sc=False),
        out_type=[
            jax.ShapeDtypeStruct((B, D), jnp.float32),
            jax.ShapeDtypeStruct((B * NF, D), jnp.float32),
            jax.ShapeDtypeStruct((B * L, D), jnp.float32),
        ],
        scratch_types=[
            pltpu.VMEM((PW_SEQ,), jnp.int32),
            pltpu.VMEM((PW_SEQ, D), jnp.float32),
            pltpu.SemaphoreType.DMA,
        ],
    )(_gather_body)
    return k(emb0, embr, idx0, idxr, idxs)


def _din_body(e0_r, er_r, seq_r, mask_r, w128_r, wtd_r, fc1b_r, v2_r,
              fc2b_r, din_r):
    f32 = jnp.float32
    bf16 = jnp.bfloat16
    e0 = e0_r[...]
    seq2f = seq_r[...]
    seq = seq2f.reshape(BB, L, D)
    target = jnp.concatenate([e0, er_r[...][:, : 3 * D]], axis=1)
    c = jnp.dot(target.astype(bf16), wtd_r[...],
                preferred_element_type=f32) + fc1b_r[...]

    seq2 = seq2f
    su = (seq * e0[:, None, :]).reshape(BB * L, D)
    hm = (jnp.dot(seq2.astype(bf16), w128_r[...][:D],
                  preferred_element_type=f32)
          + jnp.dot(su.astype(bf16), w128_r[...][D:],
                    preferred_element_type=f32))
    h = jnp.maximum(hm.reshape(BB, L, 4 * D) + c[:, None, :], 0.0)
    awc = jnp.dot(h.reshape(BB * L, 4 * D).astype(bf16), v2_r[...],
                  preferred_element_type=f32)
    aw = awc.reshape(BB, L) + fc2b_r[...]
    aw = jnp.where(mask_r[...] < 0.5, -1e9, aw)
    m = jnp.max(aw, axis=1, keepdims=True)
    ex = jnp.exp(aw - m)
    p = ex / jnp.sum(ex, axis=1, keepdims=True)
    din_r[...] = (p[:, :, None] * seq).sum(1)


def _din(e0_g, er_g, seq_g, seq_mask, w128, wtd, fc1b, v2, fc2b):
    bi = lambda i: (i, 0)
    w2 = lambda i: (0, 0)
    in_specs = [
        pl.BlockSpec((BB, D), bi),
        pl.BlockSpec((BB, 4 * D), bi),
        pl.BlockSpec((BB * L, D), bi),
        pl.BlockSpec((BB, L), bi),
        pl.BlockSpec((2 * D, 4 * D), w2),
        pl.BlockSpec((4 * D, 4 * D), w2),
        pl.BlockSpec((1, 4 * D), w2),
        pl.BlockSpec((4 * D, 1), w2),
        pl.BlockSpec((1, 1), w2),
    ]
    return pl.pallas_call(
        _din_body,
        grid=(B // BB,),
        in_specs=in_specs,
        out_specs=pl.BlockSpec((BB, D), bi),
        out_shape=jax.ShapeDtypeStruct((B, D), jnp.float32),
        compiler_params=pltpu.CompilerParams(
            vmem_limit_bytes=100 * 1024 * 1024),
    )(e0_g, er_g, seq_g, seq_mask, w128, wtd, fc1b, v2, fc2b)


def _cross_body(e0_r, er_r, din_r, ck_r, cb0_r, cb1_r, d1w_r, d1b_r, d2w_r,
                d2b_r, linx_r, lind_r, linb_r, out_r):
    f32 = jnp.float32
    bf16 = jnp.bfloat16
    zer = jnp.zeros((B, TOTP - TOTX), f32)
    tx = jnp.concatenate([e0_r[...], er_r[...], din_r[...], zer], axis=1)
    txh = tx.astype(bf16)
    ck0h = ck_r[0].astype(bf16)
    ck1h = ck_r[1].astype(bf16)
    w0 = jnp.dot(txh, ck0h, preferred_element_type=f32) + cb0_r[...]
    x1 = tx * w0 + tx
    w1 = jnp.dot(x1.astype(bf16), ck1h,
                 preferred_element_type=f32) + cb1_r[...]
    x2 = tx * w1 + x1
    dh = jnp.maximum(
        lax.dot_general(txh, d1w_r[...].astype(bf16),
                        (((1,), (1,)), ((), ())),
                        preferred_element_type=f32) + d1b_r[...], 0.0)
    dh2 = jnp.maximum(
        lax.dot_general(dh.astype(bf16), d2w_r[...].astype(bf16),
                        (((1,), (1,)), ((), ())),
                        preferred_element_type=f32) + d2b_r[...], 0.0)
    out = ((x2 * linx_r[...]).sum(-1, keepdims=True)
           + (dh2 * lind_r[...]).sum(-1, keepdims=True) + linb_r[...])
    out_r[...] = out


def _cross(e0_g, er_g, din, ckh, cb0, cb1, d1w, d1b, d2w, d2b, linx, lind,
           linb):
    w2 = lambda i: (0, 0)
    in_specs = [
        pl.BlockSpec((B, D), w2),
        pl.BlockSpec((B, NF * D), w2),
        pl.BlockSpec((B, D), w2),
        pl.BlockSpec((2, TOTP, TOTP), lambda i: (0, 0, 0)),
        pl.BlockSpec((1, TOTP), w2),
        pl.BlockSpec((1, TOTP), w2),
        pl.BlockSpec((1024, TOTP), w2),
        pl.BlockSpec((1, 1024), w2),
        pl.BlockSpec((512, 1024), w2),
        pl.BlockSpec((1, 512), w2),
        pl.BlockSpec((1, TOTP), w2),
        pl.BlockSpec((1, 512), w2),
        pl.BlockSpec((1, 1), w2),
    ]
    return pl.pallas_call(
        _cross_body,
        grid=(1,),
        in_specs=in_specs,
        out_specs=pl.BlockSpec((B, 1), w2),
        out_shape=jax.ShapeDtypeStruct((B, 1), jnp.float32),
        compiler_params=pltpu.CompilerParams(
            vmem_limit_bytes=120 * 1024 * 1024),
    )(e0_g, er_g, din, ckh, cb0, cb1, d1w, d1b, d2w, d2b, linx, lind, linb)


def kernel(dnn_feat, seq_feat, seq_mask, emb0, emb_rest, fc1_W, fc1_b, fc2_W,
           fc2_b, ck, cb, d1_W, d1_b, d2_W, d2_b, lin_W, lin_b):
    dnn_feat = dnn_feat.astype(jnp.int32)
    seq_feat = seq_feat.astype(jnp.int32)
    embr = emb_rest.reshape(NF * VREST, D)
    idx0 = dnn_feat[:, 0]
    offs = (jnp.arange(NF, dtype=jnp.int32) * VREST)[None, :]
    idxr = (dnn_feat[:, 1:] + offs).reshape(-1)
    idxs = seq_feat.reshape(-1)

    e0_g, er_g, seq_g = _sc_gather(emb0, embr, idx0, idxr, idxs)
    er_g = er_g.reshape(B, NF * D)

    wt = fc1_W.T
    bf16 = jnp.bfloat16
    w128 = jnp.concatenate([wt[0:D] + wt[8 * D:9 * D], wt[12 * D:13 * D]],
                           axis=0).astype(bf16)
    wtd = (wt[4 * D:8 * D] - wt[8 * D:12 * D]).astype(bf16)

    din = _din(e0_g, er_g, seq_g, seq_mask, w128, wtd,
               fc1_b.reshape(1, -1), fc2_W.T.astype(bf16),
               fc2_b.reshape(1, 1))
    return _cross(e0_g, er_g, din, ck,
                  cb[0:1, :TOTP], cb[1:2, :TOTP],
                  d1_W, d1_b.reshape(1, -1),
                  d2_W, d2_b.reshape(1, -1),
                  lin_W[:, :TOTP], lin_W[:, F * D + 4 * D:],
                  lin_b.reshape(1, 1))

# --- scband reference (transcript-rebuilt; emitter-appended) ---
"""Pipeline reference for scband-dcnv2-21749714387649 (READ-ONLY COPY).

The authoritative reference and input builder live on the scoring server;
editing this copy changes nothing except your own understanding.
"""

import jax, jax.numpy as jnp
import numpy as np

B = 1024; F = 26; L = 50; D = 64
V205 = 100001; VREST = 1001
HID = 4 * D  # item_total_dim = (1 + 3 seq attrs + 0 sid) * D = 256
TOT = F * D + HID  # 1920


def setup_inputs(seed: int = 0):
    key = jax.random.key(seed)
    ks = jax.random.split(key, 12)
    s = 0.02
    return {
        "dnn_feat": jax.random.randint(ks[0], (B, F), 0, 1000),
        "seq_feat": jax.random.randint(ks[1], (B, L), 0, 100000),
        "seq_mask": jax.random.uniform(ks[2], (B, L), dtype=jnp.float32),
        "emb0": jax.random.normal(ks[3], (V205, D), jnp.float32) * s,
        "emb_rest": jax.random.normal(ks[4], (F - 1, VREST, D), jnp.float32) * s,
        "fc1_W": jax.random.normal(ks[5], (HID, HID * 4), jnp.float32) * s,
        "fc1_b": jnp.zeros((HID,), jnp.float32),
        "fc2_W": jax.random.normal(ks[6], (1, HID), jnp.float32) * s,
        "fc2_b": jnp.zeros((1,), jnp.float32),
        "ck": jax.random.normal(ks[7], (2, TOT, TOT), jnp.float32) * s,
        "cb": jnp.zeros((2, TOT), jnp.float32),
        "d1_W": jax.random.normal(ks[8], (1024, TOT), jnp.float32) * s,
        "d1_b": jnp.zeros((1024,), jnp.float32),
        "d2_W": jax.random.normal(ks[9], (512, 1024), jnp.float32) * s,
        "d2_b": jnp.zeros((512,), jnp.float32),
        "lin_W": jax.random.normal(ks[10], (1, TOT + 512), jnp.float32) * s,
        "lin_b": jnp.zeros((1,), jnp.float32),
    }


def _forward(dnn_feat, seq_feat, seq_mask, emb0, emb_rest, fc1_W, fc1_b, fc2_W, fc2_b, ck, cb, d1_W, d1_b, d2_W, d2_b, lin_W, lin_b):
    # per-field embedding lookups: field 0 is '205' with its own large table
    e0 = jnp.take(emb0, dnn_feat[:, 0], axis=0)  # [B, D]
    erest = emb_rest[jnp.arange(F - 1)[None, :], dnn_feat[:, 1:]]  # [B, F-1, D]
    stack = jnp.concatenate([e0[:, None, :], erest], axis=1)  # [B, F, D]
    flat = stack.reshape(stack.shape[0], -1)  # [B, F*D]
    # target item embedding: fields '205','206','213','214' -> indices 0,1,2,3
    target = jnp.concatenate([stack[:, 0], stack[:, 1], stack[:, 2], stack[:, 3]], axis=-1)  # [B, 4D]
    # sequence: id embeddings via table '205'; no attr_lookups registered -> zeros for seq attrs
    seq_id = jnp.take(emb0, seq_feat, axis=0)  # [B, L, D]
    zer = jnp.zeros_like(seq_id)
    hist = jnp.concatenate([seq_id, zer, zer, zer], axis=-1)  # [B, L, 4D]
    # DIN-style attention
    t = jnp.broadcast_to(target[:, None, :], hist.shape)
    concat = jnp.concatenate([hist, t, hist - t, hist * t], axis=-1)  # [B, L, 16D]
    h = jax.nn.relu(concat @ fc1_W.T + fc1_b)
    aw = (h @ fc2_W.T + fc2_b)[..., 0]  # [B, L]
    aw = jnp.where(seq_mask < 0.5, -1e9, aw)
    aw = jax.nn.softmax(aw, axis=1)
    din = jnp.einsum('bl,bld->bd', aw, hist)  # [B, 4D]
    total = jnp.concatenate([flat, din], axis=1)  # [B, TOT]
    # DCNv2 cross network
    x_l = total
    for i in range(2):
        xl_w = x_l @ ck[i] + cb[i][None, :]
        x_l = total * xl_w + x_l
    # DNN tower (dropout=0 -> identity at eval)
    dh = jax.nn.relu(total @ d1_W.T + d1_b)
    dh = jax.nn.relu(dh @ d2_W.T + d2_b)
    st = jnp.concatenate([x_l, dh], axis=1)
    return st @ lin_W.T + lin_b  # [B, 1]


def reference(dnn_feat, seq_feat, seq_mask, emb0, emb_rest, fc1_W, fc1_b, fc2_W, fc2_b, ck, cb, d1_W, d1_b, d2_W, d2_b, lin_W, lin_b):
    return _forward(dnn_feat, seq_feat, seq_mask, emb0, emb_rest, fc1_W, fc1_b, fc2_W, fc2_b, ck, cb, d1_W, d1_b, d2_W, d2_b, lin_W, lin_b)

if __name__ == "__main__":
    import jax
    _d = setup_inputs()
    print(jax.jit(kernel)(*tuple(_d.values())))

</pallas_src>

<mosaic_0001>
#map = affine_map<(d0, d1) -> (0, 0)>
#map1 = affine_map<(d0, d1) -> (0)>
module attributes {stable_mosaic.version = 14 : i64} {
  func.func @_gather_body(%arg0: i32, %arg1: i32, %arg2: memref<100001x64xf32, #tpu.memory_space<hbm>>, %arg3: memref<25025x64xf32, #tpu.memory_space<hbm>>, %arg4: memref<1024xi32, #tpu.memory_space<hbm>>, %arg5: memref<25600xi32, #tpu.memory_space<hbm>>, %arg6: memref<51200xi32, #tpu.memory_space<hbm>>, %arg7: memref<1024x64xf32, #tpu.memory_space<hbm>>, %arg8: memref<25600x64xf32, #tpu.memory_space<hbm>>, %arg9: memref<51200x64xf32, #tpu.memory_space<hbm>>, %arg10: memref<1600xi32, #tpu.memory_space<vmem>>, %arg11: memref<1600x64xf32, #tpu.memory_space<vmem>>, %arg12: memref<!tpu.dma_semaphore, #tpu.memory_space<semaphore_mem>>) attributes {dimension_semantics = [#tpu.dimension_semantics<core_parallel>, #tpu.dimension_semantics<subcore_parallel>], iteration_bounds = array<i64: 2, 16>, scalar_prefetch = 0 : i64, scratch_operands = 3 : i64, tpu.core_type = #tpu.core_type<sc_vector_subcore>, window_params = [{transform_indices = #map}, {transform_indices = #map}, {transform_indices = #map1}, {transform_indices = #map1}, {transform_indices = #map1}, {transform_indices = #map}, {transform_indices = #map}, {transform_indices = #map}]} {
    %mul3A = arith.constant 2 : i32
    %mul3A_0 = arith.muli %arg1, %mul3A : i32
    %add3A = arith.addi %mul3A_0, %arg0 : i32
    %mul3A_1 = arith.constant 32 : i32
    %mul3A_2 = arith.muli %add3A, %mul3A_1 : i32
    "tpu.region"() ({
      %run_scoped3A = tpu.sem_alloc : memref<!tpu.dma_semaphore, #tpu.memory_space<semaphore_mem>>
      %dma_start3A_501 = arith.constant 0 : i32
      %dma_start3A_502 = tpu.memref_slice %arg10[%dma_start3A_501] : memref<1600xi32, #tpu.memory_space<vmem>> -> memref<32xi32, #tpu.memory_space<vmem>>
      %dma_start3A_503 = tpu.memref_slice %arg4[%mul3A_2] : memref<1024xi32, #tpu.memory_space<hbm>> -> memref<32xi32, #tpu.memory_space<hbm>>
      %dma_start3A_504 = arith.constant 0 : i32
      %dma_start3A_505 = tpu.memref_slice %arg10[%dma_start3A_504] : memref<1600xi32, #tpu.memory_space<vmem>> -> memref<32xi32, #tpu.memory_space<vmem>>
      %dma_start3A_506 = tpu.memref_slice %arg4[%mul3A_2] : memref<1024xi32, #tpu.memory_space<hbm>> -> memref<32xi32, #tpu.memory_space<hbm>>
      tpu.enqueue_dma source(%dma_start3A_506 : memref<32xi32, #tpu.memory_space<hbm>>) target(%dma_start3A_505 : memref<32xi32, #tpu.memory_space<vmem>>) target_semaphore(%run_scoped3A : memref<!tpu.dma_semaphore, #tpu.memory_space<semaphore_mem>>)
      %dma_wait3A_507 = arith.constant 0 : i32
      %dma_wait3A_508 = tpu.memref_slice %arg10[%dma_wait3A_507] : memref<1600xi32, #tpu.memory_space<vmem>> -> memref<32xi32, #tpu.memory_space<vmem>>
      %dma_wait3A_509 = tpu.memref_slice %arg4[%mul3A_2] : memref<1024xi32, #tpu.memory_space<hbm>> -> memref<32xi32, #tpu.memory_space<hbm>>
      %dma_wait3A_510 = arith.constant 0 : i32
      %dma_wait3A_511 = tpu.memref_slice %arg10[%dma_wait3A_510] : memref<1600xi32, #tpu.memory_space<vmem>> -> memref<32xi32, #tpu.memory_space<vmem>>
      %dma_wait3A_512 = tpu.memref_slice %arg4[%mul3A_2] : memref<1024xi32, #tpu.memory_space<hbm>> -> memref<32xi32, #tpu.memory_space<hbm>>
      tpu.wait_dma2 semaphore(%run_scoped3A : memref<!tpu.dma_semaphore, #tpu.memory_space<semaphore_mem>>) src(%dma_wait3A_512 : memref<32xi32, #tpu.memory_space<hbm>>) dst(%dma_wait3A_511 : memref<32xi32, #tpu.memory_space<vmem>>)
      tpu.yield
    }) : () -> ()
    %dma_start3A = arith.constant 0 : i32
    %dma_start3A_3 = arith.constant 0 : i32
    %dma_start3A_4 = tpu.memref_slice %arg11[%dma_start3A, %dma_start3A_3] : memref<1600x64xf32, #tpu.memory_space<vmem>> -> memref<32x64xf32, #tpu.memory_space<vmem>>
    %dma_start3A_5 = arith.constant 0 : i32
    %dma_start3A_6 = tpu.memref_slice %arg10[%dma_start3A_5] : memref<1600xi32, #tpu.memory_space<vmem>> -> memref<32xi32, #tpu.memory_space<vmem>>
    %dma_start3A_7 = arith.constant 0 : i32
    %dma_start3A_8 = arith.constant 0 : i32
    %dma_start3A_9 = tpu.memref_slice %arg2[%dma_start3A_7, %dma_start3A_8] : memref<100001x64xf32, #tpu.memory_space<hbm>> -> memref<100001x64xf32, #tpu.memory_space<hbm>>
    tpu.enqueue_indirect_dma source(%dma_start3A_9 : memref<100001x64xf32, #tpu.memory_space<hbm>>) target(%dma_start3A_4 : memref<32x64xf32, #tpu.memory_space<vmem>>) offsets(%dma_start3A_6 : memref<32xi32, #tpu.memory_space<vmem>>) semaphore(%arg12 : memref<!tpu.dma_semaphore, #tpu.memory_space<semaphore_mem>>)
    %dma_wait3A = arith.constant 0 : i32
    %dma_wait3A_10 = arith.constant 0 : i32
    %dma_wait3A_11 = tpu.memref_slice %arg11[%dma_wait3A, %dma_wait3A_10] : memref<1600x64xf32, #tpu.memory_space<vmem>> -> memref<32x64xf32, #tpu.memory_space<vmem>>
    %dma_wait3A_12 = arith.constant 0 : i32
    %dma_wait3A_13 = tpu.memref_slice %arg10[%dma_wait3A_12] : memref<1600xi32, #tpu.memory_space<vmem>> -> memref<32xi32, #tpu.memory_space<vmem>>
    %dma_wait3A_14 = arith.constant 0 : i32
    %dma_wait3A_15 = arith.constant 0 : i32
    %dma_wait3A_16 = tpu.memref_slice %arg2[%dma_wait3A_14, %dma_wait3A_15] : memref<100001x64xf32, #tpu.memory_space<hbm>> -> memref<100001x64xf32, #tpu.memory_space<hbm>>
    tpu.wait_indirect_dma semaphore(%arg12 : memref<!tpu.dma_semaphore, #tpu.memory_space<semaphore_mem>>) src(%dma_wait3A_16 : memref<100001x64xf32, #tpu.memory_space<hbm>>) dst(%dma_wait3A_11 : memref<32x64xf32, #tpu.memory_space<vmem>>)
    "tpu.region"() ({
      %run_scoped3A = tpu.sem_alloc : memref<!tpu.dma_semaphore, #tpu.memory_space<semaphore_mem>>
      %dma_start3A_501 = arith.constant 0 : i32
      %dma_start3A_502 = arith.constant 0 : i32
      %dma_start3A_503 = tpu.memref_slice %arg11[%dma_start3A_501, %dma_start3A_502] : memref<1600x64xf32, #tpu.memory_space<vmem>> -> memref<32x64xf32, #tpu.memory_space<vmem>>
      %dma_start3A_504 = arith.constant 0 : i32
      %dma_start3A_505 = tpu.memref_slice %arg7[%mul3A_2, %dma_start3A_504] : memref<1024x64xf32, #tpu.memory_space<hbm>> -> memref<32x64xf32, #tpu.memory_space<hbm>>
      %dma_start3A_506 = arith.constant 0 : i32
      %dma_start3A_507 = tpu.memref_slice %arg7[%mul3A_2, %dma_start3A_506] : memref<1024x64xf32, #tpu.memory_space<hbm>> -> memref<32x64xf32, #tpu.memory_space<hbm>>
      %dma_start3A_508 = arith.constant 0 : i32
      %dma_start3A_509 = arith.constant 0 : i32
      %dma_start3A_510 = tpu.memref_slice %arg11[%dma_start3A_508, %dma_start3A_509] : memref<1600x64xf32, #tpu.memory_space<vmem>> -> memref<32x64xf32, #tpu.memory_space<vmem>>
      tpu.enqueue_dma source(%dma_start3A_510 : memref<32x64xf32, #tpu.memory_space<vmem>>) target(%dma_start3A_507 : memref<32x64xf32, #tpu.memory_space<hbm>>) target_semaphore(%run_scoped3A : memref<!tpu.dma_semaphore, #tpu.memory_space<semaphore_mem>>)
      %dma_wait3A_511 = arith.constant 0 : i32
      %dma_wait3A_512 = arith.constant 0 : i32
      %dma_wait3A_513 = tpu.memref_slice %arg11[%dma_wait3A_511, %dma_wait3A_512] : memref<1600x64xf32, #tpu.memory_space<vmem>> -> memref<32x64xf32, #tpu.memory_space<vmem>>
      %dma_wait3A_514 = arith.constant 0 : i32
      %dma_wait3A_515 = tpu.memref_slice %arg7[%mul3A_2, %dma_wait3A_514] : memref<1024x64xf32, #tpu.memory_space<hbm>> -> memref<32x64xf32, #tpu.memory_space<hbm>>
      %dma_wait3A_516 = arith.constant 0 : i32
      %dma_wait3A_517 = tpu.memref_slice %arg7[%mul3A_2, %dma_wait3A_516] : memref<1024x64xf32, #tpu.memory_space<hbm>> -> memref<32x64xf32, #tpu.memory_space<hbm>>
      %dma_wait3A_518 = arith.constant 0 : i32
      %dma_wait3A_519 = arith.constant 0 : i32
      %dma_wait3A_520 = tpu.memref_slice %arg11[%dma_wait3A_518, %dma_wait3A_519] : memref<1600x64xf32, #tpu.memory_space<vmem>> -> memref<32x64xf32, #tpu.memory_space<vmem>>
      tpu.wait_dma2 semaphore(%run_scoped3A : memref<!tpu.dma_semaphore, #tpu.memory_space<semaphore_mem>>) src(%dma_wait3A_520 : memref<32x64xf32, #tpu.memory_space<vmem>>) dst(%dma_wait3A_517 : memref<32x64xf32, #tpu.memory_space<hbm>>)
      tpu.yield
    }) : () -> ()
    %mul3A_17 = arith.constant 800 : i32
    %mul3A_18 = arith.muli %add3A, %mul3A_17 : i32
    "tpu.region"() ({
      %run_scoped3A = tpu.sem_alloc : memref<!tpu.dma_semaphore, #tpu.memory_space<semaphore_mem>>
      %dma_start3A_501 = arith.constant 0 : i32
      %dma_start3A_502 = tpu.memref_slice %arg10[%dma_start3A_501] : memref<1600xi32, #tpu.memory_space<vmem>> -> memref<800xi32, #tpu.memory_space<vmem>>
      %dma_start3A_503 = tpu.memref_slice %arg5[%mul3A_18] : memref<25600xi32, #tpu.memory_space<hbm>> -> memref<800xi32, #tpu.memory_space<hbm>>
      %dma_start3A_504 = arith.constant 0 : i32
      %dma_start3A_505 = tpu.memref_slice %arg10[%dma_start3A_504] : memref<1600xi32, #tpu.memory_space<vmem>> -> memref<800xi32, #tpu.memory_space<vmem>>
      %dma_start3A_506 = tpu.memref_slice %arg5[%mul3A_18] : memref<25600xi32, #tpu.memory_space<hbm>> -> memref<800xi32, #tpu.memory_space<hbm>>
      tpu.enqueue_dma source(%dma_start3A_506 : memref<800xi32, #tpu.memory_space<hbm>>) target(%dma_start3A_505 : memref<800xi32, #tpu.memory_space<vmem>>) target_semaphore(%run_scoped3A : memref<!tpu.dma_semaphore, #tpu.memory_space<semaphore_mem>>)
      %dma_wait3A_507 = arith.constant 0 : i32
      %dma_wait3A_508 = tpu.memref_slice %arg10[%dma_wait3A_507] : memref<1600xi32, #tpu.memory_space<vmem>> -> memref<800xi32, #tpu.memory_space<vmem>>
      %dma_wait3A_509 = tpu.memref_slice %arg5[%mul3A_18] : memref<25600xi32, #tpu.memory_space<hbm>> -> memref<800xi32, #tpu.memory_space<hbm>>
      %dma_wait3A_510 = arith.constant 0 : i32
      %dma_wait3A_511 = tpu.memref_slice %arg10[%dma_wait3A_510] : memref<1600xi32, #tpu.memory_space<vmem>> -> memref<800xi32, #tpu.memory_space<vmem>>
      %dma_wait3A_512 = tpu.memref_slice %arg5[%mul3A_18] : memref<25600xi32, #tpu.memory_space<hbm>> -> memref<800xi32, #tpu.memory_space<hbm>>
      tpu.wait_dma2 semaphore(%run_scoped3A : memref<!tpu.dma_semaphore, #tpu.memory_space<semaphore_mem>>) src(%dma_wait3A_512 : memref<800xi32, #tpu.memory_space<hbm>>) dst(%dma_wait3A_511 : memref<800xi32, #tpu.memory_space<vmem>>)
      tpu.yield
    }) : () -> ()
    %dma_start3A_19 = arith.constant 0 : i32
    %dma_start3A_20 = arith.constant 0 : i32
    %dma_start3A_21 = tpu.memref_slice %arg11[%dma_start3A_19, %dma_start3A_20] : memref<1600x64xf32, #tpu.memory_space<vmem>> -> memref<80x64xf32, #tpu.memory_space<vmem>>
    %dma_start3A_22 = arith.constant 0 : i32
    %dma_start3A_23 = tpu.memref_slice %arg10[%dma_start3A_22] : memref<1600xi32, #tpu.memory_space<vmem>> -> memref<80xi32, #tpu.memory_space<vmem>>
    %dma_start3A_24 = arith.constant 0 : i32
    %dma_start3A_25 = arith.constant 0 : i32
    %dma_start3A_26 = tpu.memref_slice %arg3[%dma_start3A_24, %dma_start3A_25] : memref<25025x64xf32, #tpu.memory_space<hbm>> -> memref<25025x64xf32, #tpu.memory_space<hbm>>
    tpu.enqueue_indirect_dma source(%dma_start3A_26 : memref<25025x64xf32, #tpu.memory_space<hbm>>) target(%dma_start3A_21 : memref<80x64xf32, #tpu.memory_space<vmem>>) offsets(%dma_start3A_23 : memref<80xi32, #tpu.memory_space<vmem>>) semaphore(%arg12 : memref<!tpu.dma_semaphore, #tpu.memory_space<semaphore_mem>>)
    %dma_start3A_27 = arith.constant 80 : i32
    %dma_start3A_28 = arith.constant 0 : i32
    %dma_start3A_29 = tpu.memref_slice %arg11[%dma_start3A_27, %dma_start3A_28] : memref<1600x64xf32, #tpu.memory_space<vmem>> -> memref<80x64xf32, #tpu.memory_space<vmem>>
    %dma_start3A_30 = arith.constant 80 : i32
    %dma_start3A_31 = tpu.memref_slice %arg10[%dma_start3A_30] : memref<1600xi32, #tpu.memory_space<vmem>> -> memref<80xi32, #tpu.memory_space<vmem>>
    %dma_start3A_32 = arith.constant 0 : i32
    %dma_start3A_33 = arith.constant 0 : i32
    %dma_start3A_34 = tpu.memref_slice %arg3[%dma_start3A_32, %dma_start3A_33] : memref<25025x64xf32, #tpu.memory_space<hbm>> -> memref<25025x64xf32, #tpu.memory_space<hbm>>
    tpu.enqueue_indirect_dma source(%dma_start3A_34 : memref<25025x64xf32, #tpu.memory_space<hbm>>) target(%dma_start3A_29 : memref<80x64xf32, #tpu.memory_space<vmem>>) offsets(%dma_start3A_31 : memref<80xi32, #tpu.memory_space<vmem>>) semaphore(%arg12 : memref<!tpu.dma_semaphore, #tpu.memory_space<semaphore_mem>>)
    %dma_start3A_35 = arith.constant 160 : i32
    %dma_start3A_36 = arith.constant 0 : i32
    %dma_start3A_37 = tpu.memref_slice %arg11[%dma_start3A_35, %dma_start3A_36] : memref<1600x64xf32, #tpu.memory_space<vmem>> -> memref<80x64xf32, #tpu.memory_space<vmem>>
    %dma_start3A_38 = arith.constant 160 : i32
    %dma_start3A_39 = tpu.memref_slice %arg10[%dma_start3A_38] : memref<1600xi32, #tpu.memory_space<vmem>> -> memref<80xi32, #tpu.memory_space<vmem>>
    %dma_start3A_40 = arith.constant 0 : i32
    %dma_start3A_41 = arith.constant 0 : i32
    %dma_start3A_42 = tpu.memref_slice %arg3[%dma_start3A_40, %dma_start3A_41] : memref<25025x64xf32, #tpu.memory_space<hbm>> -> memref<25025x64xf32, #tpu.memory_space<hbm>>
    tpu.enqueue_indirect_dma source(%dma_start3A_42 : memref<25025x64xf32, #tpu.memory_space<hbm>>) target(%dma_start3A_37 : memref<80x64xf32, #tpu.memory_space<vmem>>) offsets(%dma_start3A_39 : memref<80xi32, #tpu.memory_space<vmem>>) semaphore(%arg12 : memref<!tpu.dma_semaphore, #tpu.memory_space<semaphore_mem>>)
    %dma_start3A_43 = arith.constant 240 : i32
    %dma_start3A_44 = arith.constant 0 : i32
    %dma_start3A_45 = tpu.memref_slice %arg11[%dma_start3A_43, %dma_start3A_44] : memref<1600x64xf32, #tpu.memory_space<vmem>> -> memref<80x64xf32, #tpu.memory_space<vmem>>
    %dma_start3A_46 = arith.constant 240 : i32
    %dma_start3A_47 = tpu.memref_slice %arg10[%dma_start3A_46] : memref<1600xi32, #tpu.memory_space<vmem>> -> memref<80xi32, #tpu.memory_space<vmem>>
    %dma_start3A_48 = arith.constant 0 : i32
    %dma_start3A_49 = arith.constant 0 : i32
    %dma_start3A_50 = tpu.memref_slice %arg3[%dma_start3A_48, %dma_start3A_49] : memref<25025x64xf32, #tpu.memory_space<hbm>> -> memref<25025x64xf32, #tpu.memory_space<hbm>>
    tpu.enqueue_indirect_dma source(%dma_start3A_50 : memref<25025x64xf32, #tpu.memory_space<hbm>>) target(%dma_start3A_45 : memref<80x64xf32, #tpu.memory_space<vmem>>) offsets(%dma_start3A_47 : memref<80xi32, #tpu.memory_space<vmem>>) semaphore(%arg12 : memref<!tpu.dma_semaphore, #tpu.memory_space<semaphore_mem>>)
    %dma_start3A_51 = arith.constant 320 : i32
    %dma_start3A_52 = arith.constant 0 : i32
    %dma_start3A_53 = tpu.memref_slice %arg11[%dma_start3A_51, %dma_start3A_52] : memref<1600x64xf32, #tpu.memory_space<vmem>> -> memref<80x64xf32, #tpu.memory_space<vmem>>
    %dma_start3A_54 = arith.constant 320 : i32
    %dma_start3A_55 = tpu.memref_slice %arg10[%dma_start3A_54] : memref<1600xi32, #tpu.memory_space<vmem>> -> memref<80xi32, #tpu.memory_space<vmem>>
    %dma_start3A_56 = arith.constant 0 : i32
    %dma_start3A_57 = arith.constant 0 : i32
    %dma_start3A_58 = tpu.memref_slice %arg3[%dma_start3A_56, %dma_start3A_57] : memref<25025x64xf32, #tpu.memory_space<hbm>> -> memref<25025x64xf32, #tpu.memory_space<hbm>>
    tpu.enqueue_indirect_dma source(%dma_start3A_58 : memref<25025x64xf32, #tpu.memory_space<hbm>>) target(%dma_start3A_53 : memref<80x64xf32, #tpu.memory_space<vmem>>) offsets(%dma_start3A_55 : memref<80xi32, #tpu.memory_space<vmem>>) semaphore(%arg12 : memref<!tpu.dma_semaphore, #tpu.memory_space<semaphore_mem>>)
    %dma_start3A_59 = arith.constant 400 : i32
    %dma_start3A_60 = arith.constant 0 : i32
    %dma_start3A_61 = tpu.memref_slice %arg11[%dma_start3A_59, %dma_start3A_60] : memref<1600x64xf32, #tpu.memory_space<vmem>> -> memref<80x64xf32, #tpu.memory_space<vmem>>
    %dma_start3A_62 = arith.constant 400 : i32
    %dma_start3A_63 = tpu.memref_slice %arg10[%dma_start3A_62] : memref<1600xi32, #tpu.memory_space<vmem>> -> memref<80xi32, #tpu.memory_space<vmem>>
    %dma_start3A_64 = arith.constant 0 : i32
    %dma_start3A_65 = arith.constant 0 : i32
    %dma_start3A_66 = tpu.memref_slice %arg3[%dma_start3A_64, %dma_start3A_65] : memref<25025x64xf32, #tpu.memory_space<hbm>> -> memref<25025x64xf32, #tpu.memory_space<hbm>>
    tpu.enqueue_indirect_dma source(%dma_start3A_66 : memref<25025x64xf32, #tpu.memory_space<hbm>>) target(%dma_start3A_61 : memref<80x64xf32, #tpu.memory_space<vmem>>) offsets(%dma_start3A_63 : memref<80xi32, #tpu.memory_space<vmem>>) semaphore(%arg12 : memref<!tpu.dma_semaphore, #tpu.memory_space<semaphore_mem>>)
    %dma_start3A_67 = arith.constant 480 : i32
    %dma_start3A_68 = arith.constant 0 : i32
    %dma_start3A_69 = tpu.memref_slice %arg11[%dma_start3A_67, %dma_start3A_68] : memref<1600x64xf32, #tpu.memory_space<vmem>> -> memref<80x64xf32, #tpu.memory_space<vmem>>
    %dma_start3A_70 = arith.constant 480 : i32
    %dma_start3A_71 = tpu.memref_slice %arg10[%dma_start3A_70] : memref<1600xi32, #tpu.memory_space<vmem>> -> memref<80xi32, #tpu.memory_space<vmem>>
    %dma_start3A_72 = arith.constant 0 : i32
    %dma_start3A_73 = arith.constant 0 : i32
    %dma_start3A_74 = tpu.memref_slice %arg3[%dma_start3A_72, %dma_start3A_73] : memref<25025x64xf32, #tpu.memory_space<hbm>> -> memref<25025x64xf32, #tpu.memory_space<hbm>>
    tpu.enqueue_indirect_dma source(%dma_start3A_74 : memref<25025x64xf32, #tpu.memory_space<hbm>>) target(%dma_start3A_69 : memref<80x64xf32, #tpu.memory_space<vmem>>) offsets(%dma_start3A_71 : memref<80xi32, #tpu.memory_space<vmem>>) semaphore(%arg12 : memref<!tpu.dma_semaphore, #tpu.memory_space<semaphore_mem>>)
    %dma_start3A_75 = arith.constant 560 : i32
    %dma_start3A_76 = arith.constant 0 : i32
    %dma_start3A_77 = tpu.memref_slice %arg11[%dma_start3A_75, %dma_start3A_76] : memref<1600x64xf32, #tpu.memory_space<vmem>> -> memref<80x64xf32, #tpu.memory_space<vmem>>
    %dma_start3A_78 = arith.constant 560 : i32
    %dma_start3A_79 = tpu.memref_slice %arg10[%dma_start3A_78] : memref<1600xi32, #tpu.memory_space<vmem>> -> memref<80xi32, #tpu.memory_space<vmem>>
    %dma_start3A_80 = arith.constant 0 : i32
    %dma_start3A_81 = arith.constant 0 : i32
    %dma_start3A_82 = tpu.memref_slice %arg3[%dma_start3A_80, %dma_start3A_81] : memref<25025x64xf32, #tpu.memory_space<hbm>> -> memref<25025x64xf32, #tpu.memory_space<hbm>>
    tpu.enqueue_indirect_dma source(%dma_start3A_82 : memref<25025x64xf32, #tpu.memory_space<hbm>>) target(%dma_start3A_77 : memref<80x64xf32, #tpu.memory_space<vmem>>) offsets(%dma_start3A_79 : memref<80xi32, #tpu.memory_space<vmem>>) semaphore(%arg12 : memref<!tpu.dma_semaphore, #tpu.memory_space<semaphore_mem>>)
    %dma_start3A_83 = arith.constant 640 : i32
    %dma_start3A_84 = arith.constant 0 : i32
    %dma_start3A_85 = tpu.memref_slice %arg11[%dma_start3A_83, %dma_start3A_84] : memref<1600x64xf32, #tpu.memory_space<vmem>> -> memref<80x64xf32, #tpu.memory_space<vmem>>
    %dma_start3A_86 = arith.constant 640 : i32
    %dma_start3A_87 = tpu.memref_slice %arg10[%dma_start3A_86] : memref<1600xi32, #tpu.memory_space<vmem>> -> memref<80xi32, #tpu.memory_space<vmem>>
    %dma_start3A_88 = arith.constant 0 : i32
    %dma_start3A_89 = arith.constant 0 : i32
    %dma_start3A_90 = tpu.memref_slice %arg3[%dma_start3A_88, %dma_start3A_89] : memref<25025x64xf32, #tpu.memory_space<hbm>> -> memref<25025x64xf32, #tpu.memory_space<hbm>>
    tpu.enqueue_indirect_dma source(%dma_start3A_90 : memref<25025x64xf32, #tpu.memory_space<hbm>>) target(%dma_start3A_85 : memref<80x64xf32, #tpu.memory_space<vmem>>) offsets(%dma_start3A_87 : memref<80xi32, #tpu.memory_space<vmem>>) semaphore(%arg12 : memref<!tpu.dma_semaphore, #tpu.memory_space<semaphore_mem>>)
    %dma_start3A_91 = arith.constant 720 : i32
    %dma_start3A_92 = arith.constant 0 : i32
    %dma_start3A_93 = tpu.memref_slice %arg11[%dma_start3A_91, %dma_start3A_92] : memref<1600x64xf32, #tpu.memory_space<vmem>> -> memref<80x64xf32, #tpu.memory_space<vmem>>
    %dma_start3A_94 = arith.constant 720 : i32
    %dma_start3A_95 = tpu.memref_slice %arg10[%dma_start3A_94] : memref<1600xi32, #tpu.memory_space<vmem>> -> memref<80xi32, #tpu.memory_space<vmem>>
    %dma_start3A_96 = arith.constant 0 : i32
    %dma_start3A_97 = arith.constant 0 : i32
    %dma_start3A_98 = tpu.memref_slice %arg3[%dma_start3A_96, %dma_start3A_97] : memref<25025x64xf32, #tpu.memory_space<hbm>> -> memref<25025x64xf32, #tpu.memory_space<hbm>>
    tpu.enqueue_indirect_dma source(%dma_start3A_98 : memref<25025x64xf32, #tpu.memory_space<hbm>>) target(%dma_start3A_93 : memref<80x64xf32, #tpu.memory_space<vmem>>) offsets(%dma_start3A_95 : memref<80xi32, #tpu.memory_space<vmem>>) semaphore(%arg12 : memref<!tpu.dma_semaphore, #tpu.memory_space<semaphore_mem>>)
    %dma_wait3A_99 = arith.constant 0 : i32
    %dma_wait3A_100 = arith.constant 0 : i32
    %dma_wait3A_101 = tpu.memref_slice %arg11[%dma_wait3A_99, %dma_wait3A_100] : memref<1600x64xf32, #tpu.memory_space<vmem>> -> memref<80x64xf32, #tpu.memory_space<vmem>>
    %dma_wait3A_102 = arith.constant 0 : i32
    %dma_wait3A_103 = tpu.memref_slice %arg10[%dma_wait3A_102] : memref<1600xi32, #tpu.memory_space<vmem>> -> memref<80xi32, #tpu.memory_space<vmem>>
    %dma_wait3A_104 = arith.constant 0 : i32
    %dma_wait3A_105 = arith.constant 0 : i32
    %dma_wait3A_106 = tpu.memref_slice %arg3[%dma_wait3A_104, %dma_wait3A_105] : memref<25025x64xf32, #tpu.memory_space<hbm>> -> memref<25025x64xf32, #tpu.memory_space<hbm>>
    tpu.wait_indirect_dma semaphore(%arg12 : memref<!tpu.dma_semaphore, #tpu.memory_space<semaphore_mem>>) src(%dma_wait3A_106 : memref<25025x64xf32, #tpu.memory_space<hbm>>) dst(%dma_wait3A_101 : memref<80x64xf32, #tpu.memory_space<vmem>>)
    %dma_wait3A_107 = arith.constant 80 : i32
    %dma_wait3A_108 = arith.constant 0 : i32
    %dma_wait3A_109 = tpu.memref_slice %arg11[%dma_wait3A_107, %dma_wait3A_108] : memref<1600x64xf32, #tpu.memory_space<vmem>> -> memref<80x64xf32, #tpu.memory_space<vmem>>
    %dma_wait3A_110 = arith.constant 80 : i32
    %dma_wait3A_111 = tpu.memref_slice %arg10[%dma_wait3A_110] : memref<1600xi32, #tpu.memory_space<vmem>> -> memref<80xi32, #tpu.memory_space<vmem>>
    %dma_wait3A_112 = arith.constant 0 : i32
    %dma_wait3A_113 = arith.constant 0 : i32
    %dma_wait3A_114 = tpu.memref_slice %arg3[%dma_wait3A_112, %dma_wait3A_113] : memref<25025x64xf32, #tpu.memory_space<hbm>> -> memref<25025x64xf32, #tpu.memory_space<hbm>>
    tpu.wait_indirect_dma semaphore(%arg12 : memref<!tpu.dma_semaphore, #tpu.memory_space<semaphore_mem>>) src(%dma_wait3A_114 : memref<25025x64xf32, #tpu.memory_space<hbm>>) dst(%dma_wait3A_109 : memref<80x64xf32, #tpu.memory_space<vmem>>)
    %dma_wait3A_115 = arith.constant 160 : i32
    %dma_wait3A_116 = arith.constant 0 : i32
    %dma_wait3A_117 = tpu.memref_slice %arg11[%dma_wait3A_115, %dma_wait3A_116] : memref<1600x64xf32, #tpu.memory_space<vmem>> -> memref<80x64xf32, #tpu.memory_space<vmem>>
    %dma_wait3A_118 = arith.constant 160 : i32
    %dma_wait3A_119 = tpu.memref_slice %arg10[%dma_wait3A_118] : memref<1600xi32, #tpu.memory_space<vmem>> -> memref<80xi32, #tpu.memory_space<vmem>>
    %dma_wait3A_120 = arith.constant 0 : i32
    %dma_wait3A_121 = arith.constant 0 : i32
    %dma_wait3A_122 = tpu.memref_slice %arg3[%dma_wait3A_120, %dma_wait3A_121] : memref<25025x64xf32, #tpu.memory_space<hbm>> -> memref<25025x64xf32, #tpu.memory_space<hbm>>
    tpu.wait_indirect_dma semaphore(%arg12 : memref<!tpu.dma_semaphore, #tpu.memory_space<semaphore_mem>>) src(%dma_wait3A_122 : memref<25025x64xf32, #tpu.memory_space<hbm>>) dst(%dma_wait3A_117 : memref<80x64xf32, #tpu.memory_space<vmem>>)
    %dma_wait3A_123 = arith.constant 240 : i32
    %dma_wait3A_124 = arith.constant 0 : i32
    %dma_wait3A_125 = tpu.memref_slice %arg11[%dma_wait3A_123, %dma_wait3A_124] : memref<1600x64xf32, #tpu.memory_space<vmem>> -> memref<80x64xf32, #tpu.memory_space<vmem>>
    %dma_wait3A_126 = arith.constant 240 : i32
    %dma_wait3A_127 = tpu.memref_slice %arg10[%dma_wait3A_126] : memref<1600xi32, #tpu.memory_space<vmem>> -> memref<80xi32, #tpu.memory_space<vmem>>
    %dma_wait3A_128 = arith.constant 0 : i32
    %dma_wait3A_129 = arith.constant 0 : i32
    %dma_wait3A_130 = tpu.memref_slice %arg3[%dma_wait3A_128, %dma_wait3A_129] : memref<25025x64xf32, #tpu.memory_space<hbm>> -> memref<25025x64xf32, #tpu.memory_space<hbm>>
    tpu.wait_indirect_dma semaphore(%arg12 : memref<!tpu.dma_semaphore, #tpu.memory_space<semaphore_mem>>) src(%dma_wait3A_130 : memref<25025x64xf32, #tpu.memory_space<hbm>>) dst(%dma_wait3A_125 : memref<80x64xf32, #tpu.memory_space<vmem>>)
    %dma_wait3A_131 = arith.constant 320 : i32
    %dma_wait3A_132 = arith.constant 0 : i32
    %dma_wait3A_133 = tpu.memref_slice %arg11[%dma_wait3A_131, %dma_wait3A_132] : memref<1600x64xf32, #tpu.memory_space<vmem>> -> memref<80x64xf32, #tpu.memory_space<vmem>>
    %dma_wait3A_134 = arith.constant 320 : i32
    %dma_wait3A_135 = tpu.memref_slice %arg10[%dma_wait3A_134] : memref<1600xi32, #tpu.memory_space<vmem>> -> memref<80xi32, #tpu.memory_space<vmem>>
    %dma_wait3A_136 = arith.constant 0 : i32
    %dma_wait3A_137 = arith.constant 0 : i32
    %dma_wait3A_138 = tpu.memref_slice %arg3[%dma_wait3A_136, %dma_wait3A_137] : memref<25025x64xf32, #tpu.memory_space<hbm>> -> memref<25025x64xf32, #tpu.memory_space<hbm>>
    tpu.wait_indirect_dma semaphore(%arg12 : memref<!tpu.dma_semaphore, #tpu.memory_space<semaphore_mem>>) src(%dma_wait3A_138 : memref<25025x64xf32, #tpu.memory_space<hbm>>) dst(%dma_wait3A_133 : memref<80x64xf32, #tpu.memory_space<vmem>>)
    %dma_wait3A_139 = arith.constant 400 : i32
    %dma_wait3A_140 = arith.constant 0 : i32
    %dma_wait3A_141 = tpu.memref_slice %arg11[%dma_wait3A_139, %dma_wait3A_140] : memref<1600x64xf32, #tpu.memory_space<vmem>> -> memref<80x64xf32, #tpu.memory_space<vmem>>
    %dma_wait3A_142 = arith.constant 400 : i32
    %dma_wait3A_143 = tpu.memref_slice %arg10[%dma_wait3A_142] : memref<1600xi32, #tpu.memory_space<vmem>> -> memref<80xi32, #tpu.memory_space<vmem>>
    %dma_wait3A_144 = arith.constant 0 : i32
    %dma_wait3A_145 = arith.constant 0 : i32
    %dma_wait3A_146 = tpu.memref_slice %arg3[%dma_wait3A_144, %dma_wait3A_145] : memref<25025x64xf32, #tpu.memory_space<hbm>> -> memref<25025x64xf32, #tpu.memory_space<hbm>>
    tpu.wait_indirect_dma semaphore(%arg12 : memref<!tpu.dma_semaphore, #tpu.memory_space<semaphore_mem>>) src(%dma_wait3A_146 : memref<25025x64xf32, #tpu.memory_space<hbm>>) dst(%dma_wait3A_141 : memref<80x64xf32, #tpu.memory_space<vmem>>)
    %dma_wait3A_147 = arith.constant 480 : i32
    %dma_wait3A_148 = arith.constant 0 : i32
    %dma_wait3A_149 = tpu.memref_slice %arg11[%dma_wait3A_147, %dma_wait3A_148] : memref<1600x64xf32, #tpu.memory_space<vmem>> -> memref<80x64xf32, #tpu.memory_space<vmem>>
    %dma_wait3A_150 = arith.constant 480 : i32
    %dma_wait3A_151 = tpu.memref_slice %arg10[%dma_wait3A_150] : memref<1600xi32, #tpu.memory_space<vmem>> -> memref<80xi32, #tpu.memory_space<vmem>>
    %dma_wait3A_152 = arith.constant 0 : i32
    %dma_wait3A_153 = arith.constant 0 : i32
    %dma_wait3A_154 = tpu.memref_slice %arg3[%dma_wait3A_152, %dma_wait3A_153] : memref<25025x64xf32, #tpu.memory_space<hbm>> -> memref<25025x64xf32, #tpu.memory_space<hbm>>
    tpu.wait_indirect_dma semaphore(%arg12 : memref<!tpu.dma_semaphore, #tpu.memory_space<semaphore_mem>>) src(%dma_wait3A_154 : memref<25025x64xf32, #tpu.memory_space<hbm>>) dst(%dma_wait3A_149 : memref<80x64xf32, #tpu.memory_space<vmem>>)
    %dma_wait3A_155 = arith.constant 560 : i32
    %dma_wait3A_156 = arith.constant 0 : i32
    %dma_wait3A_157 = tpu.memref_slice %arg11[%dma_wait3A_155, %dma_wait3A_156] : memref<1600x64xf32, #tpu.memory_space<vmem>> -> memref<80x64xf32, #tpu.memory_space<vmem>>
    %dma_wait3A_158 = arith.constant 560 : i32
    %dma_wait3A_159 = tpu.memref_slice %arg10[%dma_wait3A_158] : memref<1600xi32, #tpu.memory_space<vmem>> -> memref<80xi32, #tpu.memory_space<vmem>>
    %dma_wait3A_160 = arith.constant 0 : i32
    %dma_wait3A_161 = arith.constant 0 : i32
    %dma_wait3A_162 = tpu.memref_slice %arg3[%dma_wait3A_160, %dma_wait3A_161] : memref<25025x64xf32, #tpu.memory_space<hbm>> -> memref<25025x64xf32, #tpu.memory_space<hbm>>
    tpu.wait_indirect_dma semaphore(%arg12 : memref<!tpu.dma_semaphore, #tpu.memory_space<semaphore_mem>>) src(%dma_wait3A_162 : memref<25025x64xf32, #tpu.memory_space<hbm>>) dst(%dma_wait3A_157 : memref<80x64xf32, #tpu.memory_space<vmem>>)
    %dma_wait3A_163 = arith.constant 640 : i32
    %dma_wait3A_164 = arith.constant 0 : i32
    %dma_wait3A_165 = tpu.memref_slice %arg11[%dma_wait3A_163, %dma_wait3A_164] : memref<1600x64xf32, #tpu.memory_space<vmem>> -> memref<80x64xf32, #tpu.memory_space<vmem>>
    %dma_wait3A_166 = arith.constant 640 : i32
    %dma_wait3A_167 = tpu.memref_slice %arg10[%dma_wait3A_166] : memref<1600xi32, #tpu.memory_space<vmem>> -> memref<80xi32, #tpu.memory_space<vmem>>
    %dma_wait3A_168 = arith.constant 0 : i32
    %dma_wait3A_169 = arith.constant 0 : i32
    %dma_wait3A_170 = tpu.memref_slice %arg3[%dma_wait3A_168, %dma_wait3A_169] : memref<25025x64xf32, #tpu.memory_space<hbm>> -> memref<25025x64xf32, #tpu.memory_space<hbm>>
    tpu.wait_indirect_dma semaphore(%arg12 : memref<!tpu.dma_semaphore, #tpu.memory_space<semaphore_mem>>) src(%dma_wait3A_170 : memref<25025x64xf32, #tpu.memory_space<hbm>>) dst(%dma_wait3A_165 : memref<80x64xf32, #tpu.memory_space<vmem>>)
    %dma_wait3A_171 = arith.constant 720 : i32
    %dma_wait3A_172 = arith.constant 0 : i32
    %dma_wait3A_173 = tpu.memref_slice %arg11[%dma_wait3A_171, %dma_wait3A_172] : memref<1600x64xf32, #tpu.memory_space<vmem>> -> memref<80x64xf32, #tpu.memory_space<vmem>>
    %dma_wait3A_174 = arith.constant 720 : i32
    %dma_wait3A_175 = tpu.memref_slice %arg10[%dma_wait3A_174] : memref<1600xi32, #tpu.memory_space<vmem>> -> memref<80xi32, #tpu.memory_space<vmem>>
    %dma_wait3A_176 = arith.constant 0 : i32
    %dma_wait3A_177 = arith.constant 0 : i32
    %dma_wait3A_178 = tpu.memref_slice %arg3[%dma_wait3A_176, %dma_wait3A_177] : memref<25025x64xf32, #tpu.memory_space<hbm>> -> memref<25025x64xf32, #tpu.memory_space<hbm>>
    tpu.wait_indirect_dma semaphore(%arg12 : memref<!tpu.dma_semaphore, #tpu.memory_space<semaphore_mem>>) src(%dma_wait3A_178 : memref<25025x64xf32, #tpu.memory_space<hbm>>) dst(%dma_wait3A_173 : memref<80x64xf32, #tpu.memory_space<vmem>>)
    "tpu.region"() ({
      %run_scoped3A = tpu.sem_alloc : memref<!tpu.dma_semaphore, #tpu.memory_space<semaphore_mem>>
      %dma_start3A_501 = arith.constant 0 : i32
      %dma_start3A_502 = arith.constant 0 : i32
      %dma_start3A_503 = tpu.memref_slice %arg11[%dma_start3A_501, %dma_start3A_502] : memref<1600x64xf32, #tpu.memory_space<vmem>> -> memref<800x64xf32, #tpu.memory_space<vmem>>
      %dma_start3A_504 = arith.constant 0 : i32
      %dma_start3A_505 = tpu.memref_slice %arg8[%mul3A_18, %dma_start3A_504] : memref<25600x64xf32, #tpu.memory_space<hbm>> -> memref<800x64xf32, #tpu.memory_space<hbm>>
      %dma_start3A_506 = arith.constant 0 : i32
      %dma_start3A_507 = tpu.memref_slice %arg8[%mul3A_18, %dma_start3A_506] : memref<25600x64xf32, #tpu.memory_space<hbm>> -> memref<800x64xf32, #tpu.memory_space<hbm>>
      %dma_start3A_508 = arith.constant 0 : i32
      %dma_start3A_509 = arith.constant 0 : i32
      %dma_start3A_510 = tpu.memref_slice %arg11[%dma_start3A_508, %dma_start3A_509] : memref<1600x64xf32, #tpu.memory_space<vmem>> -> memref<800x64xf32, #tpu.memory_space<vmem>>
      tpu.enqueue_dma source(%dma_start3A_510 : memref<800x64xf32, #tpu.memory_space<vmem>>) target(%dma_start3A_507 : memref<800x64xf32, #tpu.memory_space<hbm>>) target_semaphore(%run_scoped3A : memref<!tpu.dma_semaphore, #tpu.memory_space<semaphore_mem>>)
      %dma_wait3A_511 = arith.constant 0 : i32
      %dma_wait3A_512 = arith.constant 0 : i32
      %dma_wait3A_513 = tpu.memref_slice %arg11[%dma_wait3A_511, %dma_wait3A_512] : memref<1600x64xf32, #tpu.memory_space<vmem>> -> memref<800x64xf32, #tpu.memory_space<vmem>>
      %dma_wait3A_514 = arith.constant 0 : i32
      %dma_wait3A_515 = tpu.memref_slice %arg8[%mul3A_18, %dma_wait3A_514] : memref<25600x64xf32, #tpu.memory_space<hbm>> -> memref<800x64xf32, #tpu.memory_space<hbm>>
      %dma_wait3A_516 = arith.constant 0 : i32
      %dma_wait3A_517 = tpu.memref_slice %arg8[%mul3A_18, %dma_wait3A_516] : memref<25600x64xf32, #tpu.memory_space<hbm>> -> memref<800x64xf32, #tpu.memory_space<hbm>>
      %dma_wait3A_518 = arith.constant 0 : i32
      %dma_wait3A_519 = arith.constant 0 : i32
      %dma_wait3A_520 = tpu.memref_slice %arg11[%dma_wait3A_518, %dma_wait3A_519] : memref<1600x64xf32, #tpu.memory_space<vmem>> -> memref<800x64xf32, #tpu.memory_space<vmem>>
      tpu.wait_dma2 semaphore(%run_scoped3A : memref<!tpu.dma_semaphore, #tpu.memory_space<semaphore_mem>>) src(%dma_wait3A_520 : memref<800x64xf32, #tpu.memory_space<vmem>>) dst(%dma_wait3A_517 : memref<800x64xf32, #tpu.memory_space<hbm>>)
      tpu.yield
    }) : () -> ()
    %mul3A_179 = arith.constant 1600 : i32
    %mul3A_180 = arith.muli %add3A, %mul3A_179 : i32
    "tpu.region"() ({
      %run_scoped3A = tpu.sem_alloc : memref<!tpu.dma_semaphore, #tpu.memory_space<semaphore_mem>>
      %dma_start3A_501 = arith.constant 0 : i32
      %dma_start3A_502 = tpu.memref_slice %arg10[%dma_start3A_501] : memref<1600xi32, #tpu.memory_space<vmem>> -> memref<1600xi32, #tpu.memory_space<vmem>>
      %dma_start3A_503 = tpu.memref_slice %arg6[%mul3A_180] : memref<51200xi32, #tpu.memory_space<hbm>> -> memref<1600xi32, #tpu.memory_space<hbm>>
      %dma_start3A_504 = arith.constant 0 : i32
      %dma_start3A_505 = tpu.memref_slice %arg10[%dma_start3A_504] : memref<1600xi32, #tpu.memory_space<vmem>> -> memref<1600xi32, #tpu.memory_space<vmem>>
      %dma_start3A_506 = tpu.memref_slice %arg6[%mul3A_180] : memref<51200xi32, #tpu.memory_space<hbm>> -> memref<1600xi32, #tpu.memory_space<hbm>>
      tpu.enqueue_dma source(%dma_start3A_506 : memref<1600xi32, #tpu.memory_space<hbm>>) target(%dma_start3A_505 : memref<1600xi32, #tpu.memory_space<vmem>>) target_semaphore(%run_scoped3A : memref<!tpu.dma_semaphore, #tpu.memory_space<semaphore_mem>>)
      %dma_wait3A_507 = arith.constant 0 : i32
      %dma_wait3A_508 = tpu.memref_slice %arg10[%dma_wait3A_507] : memref<1600xi32, #tpu.memory_space<vmem>> -> memref<1600xi32, #tpu.memory_space<vmem>>
      %dma_wait3A_509 = tpu.memref_slice %arg6[%mul3A_180] : memref<51200xi32, #tpu.memory_space<hbm>> -> memref<1600xi32, #tpu.memory_space<hbm>>
      %dma_wait3A_510 = arith.constant 0 : i32
      %dma_wait3A_511 = tpu.memref_slice %arg10[%dma_wait3A_510] : memref<1600xi32, #tpu.memory_space<vmem>> -> memref<1600xi32, #tpu.memory_space<vmem>>
      %dma_wait3A_512 = tpu.memref_slice %arg6[%mul3A_180] : memref<51200xi32, #tpu.memory_space<hbm>> -> memref<1600xi32, #tpu.memory_space<hbm>>
      tpu.wait_dma2 semaphore(%run_scoped3A : memref<!tpu.dma_semaphore, #tpu.memory_space<semaphore_mem>>) src(%dma_wait3A_512 : memref<1600xi32, #tpu.memory_space<hbm>>) dst(%dma_wait3A_511 : memref<1600xi32, #tpu.memory_space<vmem>>)
      tpu.yield
    }) : () -> ()
    %dma_start3A_181 = arith.constant 0 : i32
    %dma_start3A_182 = arith.constant 0 : i32
    %dma_start3A_183 = tpu.memref_slice %arg11[%dma_start3A_181, %dma_start3A_182] : memref<1600x64xf32, #tpu.memory_space<vmem>> -> memref<80x64xf32, #tpu.memory_space<vmem>>
    %dma_start3A_184 = arith.constant 0 : i32
    %dma_start3A_185 = tpu.memref_slice %arg10[%dma_start3A_184] : memref<1600xi32, #tpu.memory_space<vmem>> -> memref<80xi32, #tpu.memory_space<vmem>>
    %dma_start3A_186 = arith.constant 0 : i32
    %dma_start3A_187 = arith.constant 0 : i32
    %dma_start3A_188 = tpu.memref_slice %arg2[%dma_start3A_186, %dma_start3A_187] : memref<100001x64xf32, #tpu.memory_space<hbm>> -> memref<100001x64xf32, #tpu.memory_space<hbm>>
    tpu.enqueue_indirect_dma source(%dma_start3A_188 : memref<100001x64xf32, #tpu.memory_space<hbm>>) target(%dma_start3A_183 : memref<80x64xf32, #tpu.memory_space<vmem>>) offsets(%dma_start3A_185 : memref<80xi32, #tpu.memory_space<vmem>>) semaphore(%arg12 : memref<!tpu.dma_semaphore, #tpu.memory_space<semaphore_mem>>)
    %dma_start3A_189 = arith.constant 80 : i32
    %dma_start3A_190 = arith.constant 0 : i32
    %dma_start3A_191 = tpu.memref_slice %arg11[%dma_start3A_189, %dma_start3A_190] : memref<1600x64xf32, #tpu.memory_space<vmem>> -> memref<80x64xf32, #tpu.memory_space<vmem>>
    %dma_start3A_192 = arith.constant 80 : i32
    %dma_start3A_193 = tpu.memref_slice %arg10[%dma_start3A_192] : memref<1600xi32, #tpu.memory_space<vmem>> -> memref<80xi32, #tpu.memory_space<vmem>>
    %dma_start3A_194 = arith.constant 0 : i32
    %dma_start3A_195 = arith.constant 0 : i32
    %dma_start3A_196 = tpu.memref_slice %arg2[%dma_start3A_194, %dma_start3A_195] : memref<100001x64xf32, #tpu.memory_space<hbm>> -> memref<100001x64xf32, #tpu.memory_space<hbm>>
    tpu.enqueue_indirect_dma source(%dma_start3A_196 : memref<100001x64xf32, #tpu.memory_space<hbm>>) target(%dma_start3A_191 : memref<80x64xf32, #tpu.memory_space<vmem>>) offsets(%dma_start3A_193 : memref<80xi32, #tpu.memory_space<vmem>>) semaphore(%arg12 : memref<!tpu.dma_semaphore, #tpu.memory_space<semaphore_mem>>)
    %dma_start3A_197 = arith.constant 160 : i32
    %dma_start3A_198 = arith.constant 0 : i32
    %dma_start3A_199 = tpu.memref_slice %arg11[%dma_start3A_197, %dma_start3A_198] : memref<1600x64xf32, #tpu.memory_space<vmem>> -> memref<80x64xf32, #tpu.memory_space<vmem>>
    %dma_start3A_200 = arith.constant 160 : i32
    %dma_start3A_201 = tpu.memref_slice %arg10[%dma_start3A_200] : memref<1600xi32, #tpu.memory_space<vmem>> -> memref<80xi32, #tpu.memory_space<vmem>>
    %dma_start3A_202 = arith.constant 0 : i32
    %dma_start3A_203 = arith.constant 0 : i32
    %dma_start3A_204 = tpu.memref_slice %arg2[%dma_start3A_202, %dma_start3A_203] : memref<100001x64xf32, #tpu.memory_space<hbm>> -> memref<100001x64xf32, #tpu.memory_space<hbm>>
    tpu.enqueue_indirect_dma source(%dma_start3A_204 : memref<100001x64xf32, #tpu.memory_space<hbm>>) target(%dma_start3A_199 : memref<80x64xf32, #tpu.memory_space<vmem>>) offsets(%dma_start3A_201 : memref<80xi32, #tpu.memory_space<vmem>>) semaphore(%arg12 : memref<!tpu.dma_semaphore, #tpu.memory_space<semaphore_mem>>)
    %dma_start3A_205 = arith.constant 240 : i32
    %dma_start3A_206 = arith.constant 0 : i32
    %dma_start3A_207 = tpu.memref_slice %arg11[%dma_start3A_205, %dma_start3A_206] : memref<1600x64xf32, #tpu.memory_space<vmem>> -> memref<80x64xf32, #tpu.memory_space<vmem>>
    %dma_start3A_208 = arith.constant 240 : i32
    %dma_start3A_209 = tpu.memref_slice %arg10[%dma_start3A_208] : memref<1600xi32, #tpu.memory_space<vmem>> -> memref<80xi32, #tpu.memory_space<vmem>>
    %dma_start3A_210 = arith.constant 0 : i32
    %dma_start3A_211 = arith.constant 0 : i32
    %dma_start3A_212 = tpu.memref_slice %arg2[%dma_start3A_210, %dma_start3A_211] : memref<100001x64xf32, #tpu.memory_space<hbm>> -> memref<100001x64xf32, #tpu.memory_space<hbm>>
    tpu.enqueue_indirect_dma source(%dma_start3A_212 : memref<100001x64xf32, #tpu.memory_space<hbm>>) target(%dma_start3A_207 : memref<80x64xf32, #tpu.memory_space<vmem>>) offsets(%dma_start3A_209 : memref<80xi32, #tpu.memory_space<vmem>>) semaphore(%arg12 : memref<!tpu.dma_semaphore, #tpu.memory_space<semaphore_mem>>)
    %dma_start3A_213 = arith.constant 320 : i32
    %dma_start3A_214 = arith.constant 0 : i32
    %dma_start3A_215 = tpu.memref_slice %arg11[%dma_start3A_213, %dma_start3A_214] : memref<1600x64xf32, #tpu.memory_space<vmem>> -> memref<80x64xf32, #tpu.memory_space<vmem>>
    %dma_start3A_216 = arith.constant 320 : i32
    %dma_start3A_217 = tpu.memref_slice %arg10[%dma_start3A_216] : memref<1600xi32, #tpu.memory_space<vmem>> -> memref<80xi32, #tpu.memory_space<vmem>>
    %dma_start3A_218 = arith.constant 0 : i32
    %dma_start3A_219 = arith.constant 0 : i32
    %dma_start3A_220 = tpu.memref_slice %arg2[%dma_start3A_218, %dma_start3A_219] : memref<100001x64xf32, #tpu.memory_space<hbm>> -> memref<100001x64xf32, #tpu.memory_space<hbm>>
    tpu.enqueue_indirect_dma source(%dma_start3A_220 : memref<100001x64xf32, #tpu.memory_space<hbm>>) target(%dma_start3A_215 : memref<80x64xf32, #tpu.memory_space<vmem>>) offsets(%dma_start3A_217 : memref<80xi32, #tpu.memory_space<vmem>>) semaphore(%arg12 : memref<!tpu.dma_semaphore, #tpu.memory_space<semaphore_mem>>)
    %dma_start3A_221 = arith.constant 400 : i32
    %dma_start3A_222 = arith.constant 0 : i32
    %dma_start3A_223 = tpu.memref_slice %arg11[%dma_start3A_221, %dma_start3A_222] : memref<1600x64xf32, #tpu.memory_space<vmem>> -> memref<80x64xf32, #tpu.memory_space<vmem>>
    %dma_start3A_224 = arith.constant 400 : i32
    %dma_start3A_225 = tpu.memref_slice %arg10[%dma_start3A_224] : memref<1600xi32, #tpu.memory_space<vmem>> -> memref<80xi32, #tpu.memory_space<vmem>>
    %dma_start3A_226 = arith.constant 0 : i32
    %dma_start3A_227 = arith.constant 0 : i32
    %dma_start3A_228 = tpu.memref_slice %arg2[%dma_start3A_226, %dma_start3A_227] : memref<100001x64xf32, #tpu.memory_space<hbm>> -> memref<100001x64xf32, #tpu.memory_space<hbm>>
    tpu.enqueue_indirect_dma source(%dma_start3A_228 : memref<100001x64xf32, #tpu.memory_space<hbm>>) target(%dma_start3A_223 : memref<80x64xf32, #tpu.memory_space<vmem>>) offsets(%dma_start3A_225 : memref<80xi32, #tpu.memory_space<vmem>>) semaphore(%arg12 : memref<!tpu.dma_semaphore, #tpu.memory_space<semaphore_mem>>)
    %dma_start3A_229 = arith.constant 480 : i32
    %dma_start3A_230 = arith.constant 0 : i32
    %dma_start3A_231 = tpu.memref_slice %arg11[%dma_start3A_229, %dma_start3A_230] : memref<1600x64xf32, #tpu.memory_space<vmem>> -> memref<80x64xf32, #tpu.memory_space<vmem>>
    %dma_start3A_232 = arith.constant 480 : i32
    %dma_start3A_233 = tpu.memref_slice %arg10[%dma_start3A_232] : memref<1600xi32, #tpu.memory_space<vmem>> -> memref<80xi32, #tpu.memory_space<vmem>>
    %dma_start3A_234 = arith.constant 0 : i32
    %dma_start3A_235 = arith.constant 0 : i32
    %dma_start3A_236 = tpu.memref_slice %arg2[%dma_start3A_234, %dma_start3A_235] : memref<100001x64xf32, #tpu.memory_space<hbm>> -> memref<100001x64xf32, #tpu.memory_space<hbm>>
    tpu.enqueue_indirect_dma source(%dma_start3A_236 : memref<100001x64xf32, #tpu.memory_space<hbm>>) target(%dma_start3A_231 : memref<80x64xf32, #tpu.memory_space<vmem>>) offsets(%dma_start3A_233 : memref<80xi32, #tpu.memory_space<vmem>>) semaphore(%arg12 : memref<!tpu.dma_semaphore, #tpu.memory_space<semaphore_mem>>)
    %dma_start3A_237 = arith.constant 560 : i32
    %dma_start3A_238 = arith.constant 0 : i32
    %dma_start3A_239 = tpu.memref_slice %arg11[%dma_start3A_237, %dma_start3A_238] : memref<1600x64xf32, #tpu.memory_space<vmem>> -> memref<80x64xf32, #tpu.memory_space<vmem>>
    %dma_start3A_240 = arith.constant 560 : i32
    %dma_start3A_241 = tpu.memref_slice %arg10[%dma_start3A_240] : memref<1600xi32, #tpu.memory_space<vmem>> -> memref<80xi32, #tpu.memory_space<vmem>>
    %dma_start3A_242 = arith.constant 0 : i32
    %dma_start3A_243 = arith.constant 0 : i32
    %dma_start3A_244 = tpu.memref_slice %arg2[%dma_start3A_242, %dma_start3A_243] : memref<100001x64xf32, #tpu.memory_space<hbm>> -> memref<100001x64xf32, #tpu.memory_space<hbm>>
    tpu.enqueue_indirect_dma source(%dma_start3A_244 : memref<100001x64xf32, #tpu.memory_space<hbm>>) target(%dma_start3A_239 : memref<80x64xf32, #tpu.memory_space<vmem>>) offsets(%dma_start3A_241 : memref<80xi32, #tpu.memory_space<vmem>>) semaphore(%arg12 : memref<!tpu.dma_semaphore, #tpu.memory_space<semaphore_mem>>)
    %dma_start3A_245 = arith.constant 640 : i32
    %dma_start3A_246 = arith.constant 0 : i32
    %dma_start3A_247 = tpu.memref_slice %arg11[%dma_start3A_245, %dma_start3A_246] : memref<1600x64xf32, #tpu.memory_space<vmem>> -> memref<80x64xf32, #tpu.memory_space<vmem>>
    %dma_start3A_248 = arith.constant 640 : i32
    %dma_start3A_249 = tpu.memref_slice %arg10[%dma_start3A_248] : memref<1600xi32, #tpu.memory_space<vmem>> -> memref<80xi32, #tpu.memory_space<vmem>>
    %dma_start3A_250 = arith.constant 0 : i32
    %dma_start3A_251 = arith.constant 0 : i32
    %dma_start3A_252 = tpu.memref_slice %arg2[%dma_start3A_250, %dma_start3A_251] : memref<100001x64xf32, #tpu.memory_space<hbm>> -> memref<100001x64xf32, #tpu.memory_space<hbm>>
    tpu.enqueue_indirect_dma source(%dma_start3A_252 : memref<100001x64xf32, #tpu.memory_space<hbm>>) target(%dma_start3A_247 : memref<80x64xf32, #tpu.memory_space<vmem>>) offsets(%dma_start3A_249 : memref<80xi32, #tpu.memory_space<vmem>>) semaphore(%arg12 : memref<!tpu.dma_semaphore, #tpu.memory_space<semaphore_mem>>)
    %dma_start3A_253 = arith.constant 720 : i32
    %dma_start3A_254 = arith.constant 0 : i32
    %dma_start3A_255 = tpu.memref_slice %arg11[%dma_start3A_253, %dma_start3A_254] : memref<1600x64xf32, #tpu.memory_space<vmem>> -> memref<80x64xf32, #tpu.memory_space<vmem>>
    %dma_start3A_256 = arith.constant 720 : i32
    %dma_start3A_257 = tpu.memref_slice %arg10[%dma_start3A_256] : memref<1600xi32, #tpu.memory_space<vmem>> -> memref<80xi32, #tpu.memory_space<vmem>>
    %dma_start3A_258 = arith.constant 0 : i32
    %dma_start3A_259 = arith.constant 0 : i32
    %dma_start3A_260 = tpu.memref_slice %arg2[%dma_start3A_258, %dma_start3A_259] : memref<100001x64xf32, #tpu.memory_space<hbm>> -> memref<100001x64xf32, #tpu.memory_space<hbm>>
    tpu.enqueue_indirect_dma source(%dma_start3A_260 : memref<100001x64xf32, #tpu.memory_space<hbm>>) target(%dma_start3A_255 : memref<80x64xf32, #tpu.memory_space<vmem>>) offsets(%dma_start3A_257 : memref<80xi32, #tpu.memory_space<vmem>>) semaphore(%arg12 : memref<!tpu.dma_semaphore, #tpu.memory_space<semaphore_mem>>)
    %dma_start3A_261 = arith.constant 800 : i32
    %dma_start3A_262 = arith.constant 0 : i32
    %dma_start3A_263 = tpu.memref_slice %arg11[%dma_start3A_261, %dma_start3A_262] : memref<1600x64xf32, #tpu.memory_space<vmem>> -> memref<80x64xf32, #tpu.memory_space<vmem>>
    %dma_start3A_264 = arith.constant 800 : i32
    %dma_start3A_265 = tpu.memref_slice %arg10[%dma_start3A_264] : memref<1600xi32, #tpu.memory_space<vmem>> -> memref<80xi32, #tpu.memory_space<vmem>>
    %dma_start3A_266 = arith.constant 0 : i32
    %dma_start3A_267 = arith.constant 0 : i32
    %dma_start3A_268 = tpu.memref_slice %arg2[%dma_start3A_266, %dma_start3A_267] : memref<100001x64xf32, #tpu.memory_space<hbm>> -> memref<100001x64xf32, #tpu.memory_space<hbm>>
    tpu.enqueue_indirect_dma source(%dma_start3A_268 : memref<100001x64xf32, #tpu.memory_space<hbm>>) target(%dma_start3A_263 : memref<80x64xf32, #tpu.memory_space<vmem>>) offsets(%dma_start3A_265 : memref<80xi32, #tpu.memory_space<vmem>>) semaphore(%arg12 : memref<!tpu.dma_semaphore, #tpu.memory_space<semaphore_mem>>)
    %dma_start3A_269 = arith.constant 880 : i32
    %dma_start3A_270 = arith.constant 0 : i32
    %dma_start3A_271 = tpu.memref_slice %arg11[%dma_start3A_269, %dma_start3A_270] : memref<1600x64xf32, #tpu.memory_space<vmem>> -> memref<80x64xf32, #tpu.memory_space<vmem>>
    %dma_start3A_272 = arith.constant 880 : i32
    %dma_start3A_273 = tpu.memref_slice %arg10[%dma_start3A_272] : memref<1600xi32, #tpu.memory_space<vmem>> -> memref<80xi32, #tpu.memory_space<vmem>>
    %dma_start3A_274 = arith.constant 0 : i32
    %dma_start3A_275 = arith.constant 0 : i32
    %dma_start3A_276 = tpu.memref_slice %arg2[%dma_start3A_274, %dma_start3A_275] : memref<100001x64xf32, #tpu.memory_space<hbm>> -> memref<100001x64xf32, #tpu.memory_space<hbm>>
    tpu.enqueue_indirect_dma source(%dma_start3A_276 : memref<100001x64xf32, #tpu.memory_space<hbm>>) target(%dma_start3A_271 : memref<80x64xf32, #tpu.memory_space<vmem>>) offsets(%dma_start3A_273 : memref<80xi32, #tpu.memory_space<vmem>>) semaphore(%arg12 : memref<!tpu.dma_semaphore, #tpu.memory_space<semaphore_mem>>)
    %dma_start3A_277 = arith.constant 960 : i32
    %dma_start3A_278 = arith.constant 0 : i32
    %dma_start3A_279 = tpu.memref_slice %arg11[%dma_start3A_277, %dma_start3A_278] : memref<1600x64xf32, #tpu.memory_space<vmem>> -> memref<80x64xf32, #tpu.memory_space<vmem>>
    %dma_start3A_280 = arith.constant 960 : i32
    %dma_start3A_281 = tpu.memref_slice %arg10[%dma_start3A_280] : memref<1600xi32, #tpu.memory_space<vmem>> -> memref<80xi32, #tpu.memory_space<vmem>>
    %dma_start3A_282 = arith.constant 0 : i32
    %dma_start3A_283 = arith.constant 0 : i32
    %dma_start3A_284 = tpu.memref_slice %arg2[%dma_start3A_282, %dma_start3A_283] : memref<100001x64xf32, #tpu.memory_space<hbm>> -> memref<100001x64xf32, #tpu.memory_space<hbm>>
    tpu.enqueue_indirect_dma source(%dma_start3A_284 : memref<100001x64xf32, #tpu.memory_space<hbm>>) target(%dma_start3A_279 : memref<80x64xf32, #tpu.memory_space<vmem>>) offsets(%dma_start3A_281 : memref<80xi32, #tpu.memory_space<vmem>>) semaphore(%arg12 : memref<!tpu.dma_semaphore, #tpu.memory_space<semaphore_mem>>)
    %dma_start3A_285 = arith.constant 1040 : i32
    %dma_start3A_286 = arith.constant 0 : i32
    %dma_start3A_287 = tpu.memref_slice %arg11[%dma_start3A_285, %dma_start3A_286] : memref<1600x64xf32, #tpu.memory_space<vmem>> -> memref<80x64xf32, #tpu.memory_space<vmem>>
    %dma_start3A_288 = arith.constant 1040 : i32
    %dma_start3A_289 = tpu.memref_slice %arg10[%dma_start3A_288] : memref<1600xi32, #tpu.memory_space<vmem>> -> memref<80xi32, #tpu.memory_space<vmem>>
    %dma_start3A_290 = arith.constant 0 : i32
    %dma_start3A_291 = arith.constant 0 : i32
    %dma_start3A_292 = tpu.memref_slice %arg2[%dma_start3A_290, %dma_start3A_291] : memref<100001x64xf32, #tpu.memory_space<hbm>> -> memref<100001x64xf32, #tpu.memory_space<hbm>>
    tpu.enqueue_indirect_dma source(%dma_start3A_292 : memref<100001x64xf32, #tpu.memory_space<hbm>>) target(%dma_start3A_287 : memref<80x64xf32, #tpu.memory_space<vmem>>) offsets(%dma_start3A_289 : memref<80xi32, #tpu.memory_space<vmem>>) semaphore(%arg12 : memref<!tpu.dma_semaphore, #tpu.memory_space<semaphore_mem>>)
    %dma_start3A_293 = arith.constant 1120 : i32
    %dma_start3A_294 = arith.constant 0 : i32
    %dma_start3A_295 = tpu.memref_slice %arg11[%dma_start3A_293, %dma_start3A_294] : memref<1600x64xf32, #tpu.memory_space<vmem>> -> memref<80x64xf32, #tpu.memory_space<vmem>>
    %dma_start3A_296 = arith.constant 1120 : i32
    %dma_start3A_297 = tpu.memref_slice %arg10[%dma_start3A_296] : memref<1600xi32, #tpu.memory_space<vmem>> -> memref<80xi32, #tpu.memory_space<vmem>>
    %dma_start3A_298 = arith.constant 0 : i32
    %dma_start3A_299 = arith.constant 0 : i32
    %dma_start3A_300 = tpu.memref_slice %arg2[%dma_start3A_298, %dma_start3A_299] : memref<100001x64xf32, #tpu.memory_space<hbm>> -> memref<100001x64xf32, #tpu.memory_space<hbm>>
    tpu.enqueue_indirect_dma source(%dma_start3A_300 : memref<100001x64xf32, #tpu.memory_space<hbm>>) target(%dma_start3A_295 : memref<80x64xf32, #tpu.memory_space<vmem>>) offsets(%dma_start3A_297 : memref<80xi32, #tpu.memory_space<vmem>>) semaphore(%arg12 : memref<!tpu.dma_semaphore, #tpu.memory_space<semaphore_mem>>)
    %dma_start3A_301 = arith.constant 1200 : i32
    %dma_start3A_302 = arith.constant 0 : i32
    %dma_start3A_303 = tpu.memref_slice %arg11[%dma_start3A_301, %dma_start3A_302] : memref<1600x64xf32, #tpu.memory_space<vmem>> -> memref<80x64xf32, #tpu.memory_space<vmem>>
    %dma_start3A_304 = arith.constant 1200 : i32
    %dma_start3A_305 = tpu.memref_slice %arg10[%dma_start3A_304] : memref<1600xi32, #tpu.memory_space<vmem>> -> memref<80xi32, #tpu.memory_space<vmem>>
    %dma_start3A_306 = arith.constant 0 : i32
    %dma_start3A_307 = arith.constant 0 : i32
    %dma_start3A_308 = tpu.memref_slice %arg2[%dma_start3A_306, %dma_start3A_307] : memref<100001x64xf32, #tpu.memory_space<hbm>> -> memref<100001x64xf32, #tpu.memory_space<hbm>>
    tpu.enqueue_indirect_dma source(%dma_start3A_308 : memref<100001x64xf32, #tpu.memory_space<hbm>>) target(%dma_start3A_303 : memref<80x64xf32, #tpu.memory_space<vmem>>) offsets(%dma_start3A_305 : memref<80xi32, #tpu.memory_space<vmem>>) semaphore(%arg12 : memref<!tpu.dma_semaphore, #tpu.memory_space<semaphore_mem>>)
    %dma_start3A_309 = arith.constant 1280 : i32
    %dma_start3A_310 = arith.constant 0 : i32
    %dma_start3A_311 = tpu.memref_slice %arg11[%dma_start3A_309, %dma_start3A_310] : memref<1600x64xf32, #tpu.memory_space<vmem>> -> memref<80x64xf32, #tpu.memory_space<vmem>>
    %dma_start3A_312 = arith.constant 1280 : i32
    %dma_start3A_313 = tpu.memref_slice %arg10[%dma_start3A_312] : memref<1600xi32, #tpu.memory_space<vmem>> -> memref<80xi32, #tpu.memory_space<vmem>>
    %dma_start3A_314 = arith.constant 0 : i32
    %dma_start3A_315 = arith.constant 0 : i32
    %dma_start3A_316 = tpu.memref_slice %arg2[%dma_start3A_314, %dma_start3A_315] : memref<100001x64xf32, #tpu.memory_space<hbm>> -> memref<100001x64xf32, #tpu.memory_space<hbm>>
    tpu.enqueue_indirect_dma source(%dma_start3A_316 : memref<100001x64xf32, #tpu.memory_space<hbm>>) target(%dma_start3A_311 : memref<80x64xf32, #tpu.memory_space<vmem>>) offsets(%dma_start3A_313 : memref<80xi32, #tpu.memory_space<vmem>>) semaphore(%arg12 : memref<!tpu.dma_semaphore, #tpu.memory_space<semaphore_mem>>)
    %dma_start3A_317 = arith.constant 1360 : i32
    %dma_start3A_318 = arith.constant 0 : i32
    %dma_start3A_319 = tpu.memref_slice %arg11[%dma_start3A_317, %dma_start3A_318] : memref<1600x64xf32, #tpu.memory_space<vmem>> -> memref<80x64xf32, #tpu.memory_space<vmem>>
    %dma_start3A_320 = arith.constant 1360 : i32
    %dma_start3A_321 = tpu.memref_slice %arg10[%dma_start3A_320] : memref<1600xi32, #tpu.memory_space<vmem>> -> memref<80xi32, #tpu.memory_space<vmem>>
    %dma_start3A_322 = arith.constant 0 : i32
    %dma_start3A_323 = arith.constant 0 : i32
    %dma_start3A_324 = tpu.memref_slice %arg2[%dma_start3A_322, %dma_start3A_323] : memref<100001x64xf32, #tpu.memory_space<hbm>> -> memref<100001x64xf32, #tpu.memory_space<hbm>>
    tpu.enqueue_indirect_dma source(%dma_start3A_324 : memref<100001x64xf32, #tpu.memory_space<hbm>>) target(%dma_start3A_319 : memref<80x64xf32, #tpu.memory_space<vmem>>) offsets(%dma_start3A_321 : memref<80xi32, #tpu.memory_space<vmem>>) semaphore(%arg12 : memref<!tpu.dma_semaphore, #tpu.memory_space<semaphore_mem>>)
    %dma_start3A_325 = arith.constant 1440 : i32
    %dma_start3A_326 = arith.constant 0 : i32
    %dma_start3A_327 = tpu.memref_slice %arg11[%dma_start3A_325, %dma_start3A_326] : memref<1600x64xf32, #tpu.memory_space<vmem>> -> memref<80x64xf32, #tpu.memory_space<vmem>>
    %dma_start3A_328 = arith.constant 1440 : i32
    %dma_start3A_329 = tpu.memref_slice %arg10[%dma_start3A_328] : memref<1600xi32, #tpu.memory_space<vmem>> -> memref<80xi32, #tpu.memory_space<vmem>>
    %dma_start3A_330 = arith.constant 0 : i32
    %dma_start3A_331 = arith.constant 0 : i32
    %dma_start3A_332 = tpu.memref_slice %arg2[%dma_start3A_330, %dma_start3A_331] : memref<100001x64xf32, #tpu.memory_space<hbm>> -> memref<100001x64xf32, #tpu.memory_space<hbm>>
    tpu.enqueue_indirect_dma source(%dma_start3A_332 : memref<100001x64xf32, #tpu.memory_space<hbm>>) target(%dma_start3A_327 : memref<80x64xf32, #tpu.memory_space<vmem>>) offsets(%dma_start3A_329 : memref<80xi32, #tpu.memory_space<vmem>>) semaphore(%arg12 : memref<!tpu.dma_semaphore, #tpu.memory_space<semaphore_mem>>)
    %dma_start3A_333 = arith.constant 1520 : i32
    %dma_start3A_334 = arith.constant 0 : i32
    %dma_start3A_335 = tpu.memref_slice %arg11[%dma_start3A_333, %dma_start3A_334] : memref<1600x64xf32, #tpu.memory_space<vmem>> -> memref<80x64xf32, #tpu.memory_space<vmem>>
    %dma_start3A_336 = arith.constant 1520 : i32
    %dma_start3A_337 = tpu.memref_slice %arg10[%dma_start3A_336] : memref<1600xi32, #tpu.memory_space<vmem>> -> memref<80xi32, #tpu.memory_space<vmem>>
    %dma_start3A_338 = arith.constant 0 : i32
    %dma_start3A_339 = arith.constant 0 : i32
    %dma_start3A_340 = tpu.memref_slice %arg2[%dma_start3A_338, %dma_start3A_339] : memref<100001x64xf32, #tpu.memory_space<hbm>> -> memref<100001x64xf32, #tpu.memory_space<hbm>>
    tpu.enqueue_indirect_dma source(%dma_start3A_340 : memref<100001x64xf32, #tpu.memory_space<hbm>>) target(%dma_start3A_335 : memref<80x64xf32, #tpu.memory_space<vmem>>) offsets(%dma_start3A_337 : memref<80xi32, #tpu.memory_space<vmem>>) semaphore(%arg12 : memref<!tpu.dma_semaphore, #tpu.memory_space<semaphore_mem>>)
    %dma_wait3A_341 = arith.constant 0 : i32
    %dma_wait3A_342 = arith.constant 0 : i32
    %dma_wait3A_343 = tpu.memref_slice %arg11[%dma_wait3A_341, %dma_wait3A_342] : memref<1600x64xf32, #tpu.memory_space<vmem>> -> memref<80x64xf32, #tpu.memory_space<vmem>>
    %dma_wait3A_344 = arith.constant 0 : i32
    %dma_wait3A_345 = tpu.memref_slice %arg10[%dma_wait3A_344] : memref<1600xi32, #tpu.memory_space<vmem>> -> memref<80xi32, #tpu.memory_space<vmem>>
    %dma_wait3A_346 = arith.constant 0 : i32
    %dma_wait3A_347 = arith.constant 0 : i32
    %dma_wait3A_348 = tpu.memref_slice %arg2[%dma_wait3A_346, %dma_wait3A_347] : memref<100001x64xf32, #tpu.memory_space<hbm>> -> memref<100001x64xf32, #tpu.memory_space<hbm>>
    tpu.wait_indirect_dma semaphore(%arg12 : memref<!tpu.dma_semaphore, #tpu.memory_space<semaphore_mem>>) src(%dma_wait3A_348 : memref<100001x64xf32, #tpu.memory_space<hbm>>) dst(%dma_wait3A_343 : memref<80x64xf32, #tpu.memory_space<vmem>>)
    %dma_wait3A_349 = arith.constant 80 : i32
    %dma_wait3A_350 = arith.constant 0 : i32
    %dma_wait3A_351 = tpu.memref_slice %arg11[%dma_wait3A_349, %dma_wait3A_350] : memref<1600x64xf32, #tpu.memory_space<vmem>> -> memref<80x64xf32, #tpu.memory_space<vmem>>
    %dma_wait3A_352 = arith.constant 80 : i32
    %dma_wait3A_353 = tpu.memref_slice %arg10[%dma_wait3A_352] : memref<1600xi32, #tpu.memory_space<vmem>> -> memref<80xi32, #tpu.memory_space<vmem>>
    %dma_wait3A_354 = arith.constant 0 : i32
    %dma_wait3A_355 = arith.constant 0 : i32
    %dma_wait3A_356 = tpu.memref_slice %arg2[%dma_wait3A_354, %dma_wait3A_355] : memref<100001x64xf32, #tpu.memory_space<hbm>> -> memref<100001x64xf32, #tpu.memory_space<hbm>>
    tpu.wait_indirect_dma semaphore(%arg12 : memref<!tpu.dma_semaphore, #tpu.memory_space<semaphore_mem>>) src(%dma_wait3A_356 : memref<100001x64xf32, #tpu.memory_space<hbm>>) dst(%dma_wait3A_351 : memref<80x64xf32, #tpu.memory_space<vmem>>)
    %dma_wait3A_357 = arith.constant 160 : i32
    %dma_wait3A_358 = arith.constant 0 : i32
    %dma_wait3A_359 = tpu.memref_slice %arg11[%dma_wait3A_357, %dma_wait3A_358] : memref<1600x64xf32, #tpu.memory_space<vmem>> -> memref<80x64xf32, #tpu.memory_space<vmem>>
    %dma_wait3A_360 = arith.constant 160 : i32
    %dma_wait3A_361 = tpu.memref_slice %arg10[%dma_wait3A_360] : memref<1600xi32, #tpu.memory_space<vmem>> -> memref<80xi32, #tpu.memory_space<vmem>>
    %dma_wait3A_362 = arith.constant 0 : i32
    %dma_wait3A_363 = arith.constant 0 : i32
    %dma_wait3A_364 = tpu.memref_slice %arg2[%dma_wait3A_362, %dma_wait3A_363] : memref<100001x64xf32, #tpu.memory_space<hbm>> -> memref<100001x64xf32, #tpu.memory_space<hbm>>
    tpu.wait_indirect_dma semaphore(%arg12 : memref<!tpu.dma_semaphore, #tpu.memory_space<semaphore_mem>>) src(%dma_wait3A_364 : memref<100001x64xf32, #tpu.memory_space<hbm>>) dst(%dma_wait3A_359 : memref<80x64xf32, #tpu.memory_space<vmem>>)
    %dma_wait3A_365 = arith.constant 240 : i32
    %dma_wait3A_366 = arith.constant 0 : i32
    %dma_wait3A_367 = tpu.memref_slice %arg11[%dma_wait3A_365, %dma_wait3A_366] : memref<1600x64xf32, #tpu.memory_space<vmem>> -> memref<80x64xf32, #tpu.memory_space<vmem>>
    %dma_wait3A_368 = arith.constant 240 : i32
    %dma_wait3A_369 = tpu.memref_slice %arg10[%dma_wait3A_368] : memref<1600xi32, #tpu.memory_space<vmem>> -> memref<80xi32, #tpu.memory_space<vmem>>
    %dma_wait3A_370 = arith.constant 0 : i32
    %dma_wait3A_371 = arith.constant 0 : i32
    %dma_wait3A_372 = tpu.memref_slice %arg2[%dma_wait3A_370, %dma_wait3A_371] : memref<100001x64xf32, #tpu.memory_space<hbm>> -> memref<100001x64xf32, #tpu.memory_space<hbm>>
    tpu.wait_indirect_dma semaphore(%arg12 : memref<!tpu.dma_semaphore, #tpu.memory_space<semaphore_mem>>) src(%dma_wait3A_372 : memref<100001x64xf32, #tpu.memory_space<hbm>>) dst(%dma_wait3A_367 : memref<80x64xf32, #tpu.memory_space<vmem>>)
    %dma_wait3A_373 = arith.constant 320 : i32
    %dma_wait3A_374 = arith.constant 0 : i32
    %dma_wait3A_375 = tpu.memref_slice %arg11[%dma_wait3A_373, %dma_wait3A_374] : memref<1600x64xf32, #tpu.memory_space<vmem>> -> memref<80x64xf32, #tpu.memory_space<vmem>>
    %dma_wait3A_376 = arith.constant 320 : i32
    %dma_wait3A_377 = tpu.memref_slice %arg10[%dma_wait3A_376] : memref<1600xi32, #tpu.memory_space<vmem>> -> memref<80xi32, #tpu.memory_space<vmem>>
    %dma_wait3A_378 = arith.constant 0 : i32
    %dma_wait3A_379 = arith.constant 0 : i32
    %dma_wait3A_380 = tpu.memref_slice %arg2[%dma_wait3A_378, %dma_wait3A_379] : memref<100001x64xf32, #tpu.memory_space<hbm>> -> memref<100001x64xf32, #tpu.memory_space<hbm>>
    tpu.wait_indirect_dma semaphore(%arg12 : memref<!tpu.dma_semaphore, #tpu.memory_space<semaphore_mem>>) src(%dma_wait3A_380 : memref<100001x64xf32, #tpu.memory_space<hbm>>) dst(%dma_wait3A_375 : memref<80x64xf32, #tpu.memory_space<vmem>>)
    %dma_wait3A_381 = arith.constant 400 : i32
    %dma_wait3A_382 = arith.constant 0 : i32
    %dma_wait3A_383 = tpu.memref_slice %arg11[%dma_wait3A_381, %dma_wait3A_382] : memref<1600x64xf32, #tpu.memory_space<vmem>> -> memref<80x64xf32, #tpu.memory_space<vmem>>
    %dma_wait3A_384 = arith.constant 400 : i32
    %dma_wait3A_385 = tpu.memref_slice %arg10[%dma_wait3A_384] : memref<1600xi32, #tpu.memory_space<vmem>> -> memref<80xi32, #tpu.memory_space<vmem>>
    %dma_wait3A_386 = arith.constant 0 : i32
    %dma_wait3A_387 = arith.constant 0 : i32
    %dma_wait3A_388 = tpu.memref_slice %arg2[%dma_wait3A_386, %dma_wait3A_387] : memref<100001x64xf32, #tpu.memory_space<hbm>> -> memref<100001x64xf32, #tpu.memory_space<hbm>>
    tpu.wait_indirect_dma semaphore(%arg12 : memref<!tpu.dma_semaphore, #tpu.memory_space<semaphore_mem>>) src(%dma_wait3A_388 : memref<100001x64xf32, #tpu.memory_space<hbm>>) dst(%dma_wait3A_383 : memref<80x64xf32, #tpu.memory_space<vmem>>)
    %dma_wait3A_389 = arith.constant 480 : i32
    %dma_wait3A_390 = arith.constant 0 : i32
    %dma_wait3A_391 = tpu.memref_slice %arg11[%dma_wait3A_389, %dma_wait3A_390] : memref<1600x64xf32, #tpu.memory_space<vmem>> -> memref<80x64xf32, #tpu.memory_space<vmem>>
    %dma_wait3A_392 = arith.constant 480 : i32
    %dma_wait3A_393 = tpu.memref_slice %arg10[%dma_wait3A_392] : memref<1600xi32, #tpu.memory_space<vmem>> -> memref<80xi32, #tpu.memory_space<vmem>>
    %dma_wait3A_394 = arith.constant 0 : i32
    %dma_wait3A_395 = arith.constant 0 : i32
    %dma_wait3A_396 = tpu.memref_slice %arg2[%dma_wait3A_394, %dma_wait3A_395] : memref<100001x64xf32, #tpu.memory_space<hbm>> -> memref<100001x64xf32, #tpu.memory_space<hbm>>
    tpu.wait_indirect_dma semaphore(%arg12 : memref<!tpu.dma_semaphore, #tpu.memory_space<semaphore_mem>>) src(%dma_wait3A_396 : memref<100001x64xf32, #tpu.memory_space<hbm>>) dst(%dma_wait3A_391 : memref<80x64xf32, #tpu.memory_space<vmem>>)
    %dma_wait3A_397 = arith.constant 560 : i32
    %dma_wait3A_398 = arith.constant 0 : i32
    %dma_wait3A_399 = tpu.memref_slice %arg11[%dma_wait3A_397, %dma_wait3A_398] : memref<1600x64xf32, #tpu.memory_space<vmem>> -> memref<80x64xf32, #tpu.memory_space<vmem>>
    %dma_wait3A_400 = arith.constant 560 : i32
    %dma_wait3A_401 = tpu.memref_slice %arg10[%dma_wait3A_400] : memref<1600xi32, #tpu.memory_space<vmem>> -> memref<80xi32, #tpu.memory_space<vmem>>
    %dma_wait3A_402 = arith.constant 0 : i32
    %dma_wait3A_403 = arith.constant 0 : i32
    %dma_wait3A_404 = tpu.memref_slice %arg2[%dma_wait3A_402, %dma_wait3A_403] : memref<100001x64xf32, #tpu.memory_space<hbm>> -> memref<100001x64xf32, #tpu.memory_space<hbm>>
    tpu.wait_indirect_dma semaphore(%arg12 : memref<!tpu.dma_semaphore, #tpu.memory_space<semaphore_mem>>) src(%dma_wait3A_404 : memref<100001x64xf32, #tpu.memory_space<hbm>>) dst(%dma_wait3A_399 : memref<80x64xf32, #tpu.memory_space<vmem>>)
    %dma_wait3A_405 = arith.constant 640 : i32
    %dma_wait3A_406 = arith.constant 0 : i32
    %dma_wait3A_407 = tpu.memref_slice %arg11[%dma_wait3A_405, %dma_wait3A_406] : memref<1600x64xf32, #tpu.memory_space<vmem>> -> memref<80x64xf32, #tpu.memory_space<vmem>>
    %dma_wait3A_408 = arith.constant 640 : i32
    %dma_wait3A_409 = tpu.memref_slice %arg10[%dma_wait3A_408] : memref<1600xi32, #tpu.memory_space<vmem>> -> memref<80xi32, #tpu.memory_space<vmem>>
    %dma_wait3A_410 = arith.constant 0 : i32
    %dma_wait3A_411 = arith.constant 0 : i32
    %dma_wait3A_412 = tpu.memref_slice %arg2[%dma_wait3A_410, %dma_wait3A_411] : memref<100001x64xf32, #tpu.memory_space<hbm>> -> memref<100001x64xf32, #tpu.memory_space<hbm>>
    tpu.wait_indirect_dma semaphore(%arg12 : memref<!tpu.dma_semaphore, #tpu.memory_space<semaphore_mem>>) src(%dma_wait3A_412 : memref<100001x64xf32, #tpu.memory_space<hbm>>) dst(%dma_wait3A_407 : memref<80x64xf32, #tpu.memory_space<vmem>>)
    %dma_wait3A_413 = arith.constant 720 : i32
    %dma_wait3A_414 = arith.constant 0 : i32
    %dma_wait3A_415 = tpu.memref_slice %arg11[%dma_wait3A_413, %dma_wait3A_414] : memref<1600x64xf32, #tpu.memory_space<vmem>> -> memref<80x64xf32, #tpu.memory_space<vmem>>
    %dma_wait3A_416 = arith.constant 720 : i32
    %dma_wait3A_417 = tpu.memref_slice %arg10[%dma_wait3A_416] : memref<1600xi32, #tpu.memory_space<vmem>> -> memref<80xi32, #tpu.memory_space<vmem>>
    %dma_wait3A_418 = arith.constant 0 : i32
    %dma_wait3A_419 = arith.constant 0 : i32
    %dma_wait3A_420 = tpu.memref_slice %arg2[%dma_wait3A_418, %dma_wait3A_419] : memref<100001x64xf32, #tpu.memory_space<hbm>> -> memref<100001x64xf32, #tpu.memory_space<hbm>>
    tpu.wait_indirect_dma semaphore(%arg12 : memref<!tpu.dma_semaphore, #tpu.memory_space<semaphore_mem>>) src(%dma_wait3A_420 : memref<100001x64xf32, #tpu.memory_space<hbm>>) dst(%dma_wait3A_415 : memref<80x64xf32, #tpu.memory_space<vmem>>)
    %dma_wait3A_421 = arith.constant 800 : i32
    %dma_wait3A_422 = arith.constant 0 : i32
    %dma_wait3A_423 = tpu.memref_slice %arg11[%dma_wait3A_421, %dma_wait3A_422] : memref<1600x64xf32, #tpu.memory_space<vmem>> -> memref<80x64xf32, #tpu.memory_space<vmem>>
    %dma_wait3A_424 = arith.constant 800 : i32
    %dma_wait3A_425 = tpu.memref_slice %arg10[%dma_wait3A_424] : memref<1600xi32, #tpu.memory_space<vmem>> -> memref<80xi32, #tpu.memory_space<vmem>>
    %dma_wait3A_426 = arith.constant 0 : i32
    %dma_wait3A_427 = arith.constant 0 : i32
    %dma_wait3A_428 = tpu.memref_slice %arg2[%dma_wait3A_426, %dma_wait3A_427] : memref<100001x64xf32, #tpu.memory_space<hbm>> -> memref<100001x64xf32, #tpu.memory_space<hbm>>
    tpu.wait_indirect_dma semaphore(%arg12 : memref<!tpu.dma_semaphore, #tpu.memory_space<semaphore_mem>>) src(%dma_wait3A_428 : memref<100001x64xf32, #tpu.memory_space<hbm>>) dst(%dma_wait3A_423 : memref<80x64xf32, #tpu.memory_space<vmem>>)
    %dma_wait3A_429 = arith.constant 880 : i32
    %dma_wait3A_430 = arith.constant 0 : i32
    %dma_wait3A_431 = tpu.memref_slice %arg11[%dma_wait3A_429, %dma_wait3A_430] : memref<1600x64xf32, #tpu.memory_space<vmem>> -> memref<80x64xf32, #tpu.memory_space<vmem>>
    %dma_wait3A_432 = arith.constant 880 : i32
    %dma_wait3A_433 = tpu.memref_slice %arg10[%dma_wait3A_432] : memref<1600xi32, #tpu.memory_space<vmem>> -> memref<80xi32, #tpu.memory_space<vmem>>
    %dma_wait3A_434 = arith.constant 0 : i32
    %dma_wait3A_435 = arith.constant 0 : i32
    %dma_wait3A_436 = tpu.memref_slice %arg2[%dma_wait3A_434, %dma_wait3A_435] : memref<100001x64xf32, #tpu.memory_space<hbm>> -> memref<100001x64xf32, #tpu.memory_space<hbm>>
    tpu.wait_indirect_dma semaphore(%arg12 : memref<!tpu.dma_semaphore, #tpu.memory_space<semaphore_mem>>) src(%dma_wait3A_436 : memref<100001x64xf32, #tpu.memory_space<hbm>>) dst(%dma_wait3A_431 : memref<80x64xf32, #tpu.memory_space<vmem>>)
    %dma_wait3A_437 = arith.constant 960 : i32
    %dma_wait3A_438 = arith.constant 0 : i32
    %dma_wait3A_439 = tpu.memref_slice %arg11[%dma_wait3A_437, %dma_wait3A_438] : memref<1600x64xf32, #tpu.memory_space<vmem>> -> memref<80x64xf32, #tpu.memory_space<vmem>>
    %dma_wait3A_440 = arith.constant 960 : i32
    %dma_wait3A_441 = tpu.memref_slice %arg10[%dma_wait3A_440] : memref<1600xi32, #tpu.memory_space<vmem>> -> memref<80xi32, #tpu.memory_space<vmem>>
    %dma_wait3A_442 = arith.constant 0 : i32
    %dma_wait3A_443 = arith.constant 0 : i32
    %dma_wait3A_444 = tpu.memref_slice %arg2[%dma_wait3A_442, %dma_wait3A_443] : memref<100001x64xf32, #tpu.memory_space<hbm>> -> memref<100001x64xf32, #tpu.memory_space<hbm>>
    tpu.wait_indirect_dma semaphore(%arg12 : memref<!tpu.dma_semaphore, #tpu.memory_space<semaphore_mem>>) src(%dma_wait3A_444 : memref<100001x64xf32, #tpu.memory_space<hbm>>) dst(%dma_wait3A_439 : memref<80x64xf32, #tpu.memory_space<vmem>>)
    %dma_wait3A_445 = arith.constant 1040 : i32
    %dma_wait3A_446 = arith.constant 0 : i32
    %dma_wait3A_447 = tpu.memref_slice %arg11[%dma_wait3A_445, %dma_wait3A_446] : memref<1600x64xf32, #tpu.memory_space<vmem>> -> memref<80x64xf32, #tpu.memory_space<vmem>>
    %dma_wait3A_448 = arith.constant 1040 : i32
    %dma_wait3A_449 = tpu.memref_slice %arg10[%dma_wait3A_448] : memref<1600xi32, #tpu.memory_space<vmem>> -> memref<80xi32, #tpu.memory_space<vmem>>
    %dma_wait3A_450 = arith.constant 0 : i32
    %dma_wait3A_451 = arith.constant 0 : i32
    %dma_wait3A_452 = tpu.memref_slice %arg2[%dma_wait3A_450, %dma_wait3A_451] : memref<100001x64xf32, #tpu.memory_space<hbm>> -> memref<100001x64xf32, #tpu.memory_space<hbm>>
    tpu.wait_indirect_dma semaphore(%arg12 : memref<!tpu.dma_semaphore, #tpu.memory_space<semaphore_mem>>) src(%dma_wait3A_452 : memref<100001x64xf32, #tpu.memory_space<hbm>>) dst(%dma_wait3A_447 : memref<80x64xf32, #tpu.memory_space<vmem>>)
    %dma_wait3A_453 = arith.constant 1120 : i32
    %dma_wait3A_454 = arith.constant 0 : i32
    %dma_wait3A_455 = tpu.memref_slice %arg11[%dma_wait3A_453, %dma_wait3A_454] : memref<1600x64xf32, #tpu.memory_space<vmem>> -> memref<80x64xf32, #tpu.memory_space<vmem>>
    %dma_wait3A_456 = arith.constant 1120 : i32
    %dma_wait3A_457 = tpu.memref_slice %arg10[%dma_wait3A_456] : memref<1600xi32, #tpu.memory_space<vmem>> -> memref<80xi32, #tpu.memory_space<vmem>>
    %dma_wait3A_458 = arith.constant 0 : i32
    %dma_wait3A_459 = arith.constant 0 : i32
    %dma_wait3A_460 = tpu.memref_slice %arg2[%dma_wait3A_458, %dma_wait3A_459] : memref<100001x64xf32, #tpu.memory_space<hbm>> -> memref<100001x64xf32, #tpu.memory_space<hbm>>
    tpu.wait_indirect_dma semaphore(%arg12 : memref<!tpu.dma_semaphore, #tpu.memory_space<semaphore_mem>>) src(%dma_wait3A_460 : memref<100001x64xf32, #tpu.memory_space<hbm>>) dst(%dma_wait3A_455 : memref<80x64xf32, #tpu.memory_space<vmem>>)
    %dma_wait3A_461 = arith.constant 1200 : i32
    %dma_wait3A_462 = arith.constant 0 : i32
    %dma_wait3A_463 = tpu.memref_slice %arg11[%dma_wait3A_461, %dma_wait3A_462] : memref<1600x64xf32, #tpu.memory_space<vmem>> -> memref<80x64xf32, #tpu.memory_space<vmem>>
    %dma_wait3A_464 = arith.constant 1200 : i32
    %dma_wait3A_465 = tpu.memref_slice %arg10[%dma_wait3A_464] : memref<1600xi32, #tpu.memory_space<vmem>> -> memref<80xi32, #tpu.memory_space<vmem>>
    %dma_wait3A_466 = arith.constant 0 : i32
    %dma_wait3A_467 = arith.constant 0 : i32
    %dma_wait3A_468 = tpu.memref_slice %arg2[%dma_wait3A_466, %dma_wait3A_467] : memref<100001x64xf32, #tpu.memory_space<hbm>> -> memref<100001x64xf32, #tpu.memory_space<hbm>>
    tpu.wait_indirect_dma semaphore(%arg12 : memref<!tpu.dma_semaphore, #tpu.memory_space<semaphore_mem>>) src(%dma_wait3A_468 : memref<100001x64xf32, #tpu.memory_space<hbm>>) dst(%dma_wait3A_463 : memref<80x64xf32, #tpu.memory_space<vmem>>)
    %dma_wait3A_469 = arith.constant 1280 : i32
    %dma_wait3A_470 = arith.constant 0 : i32
    %dma_wait3A_471 = tpu.memref_slice %arg11[%dma_wait3A_469, %dma_wait3A_470] : memref<1600x64xf32, #tpu.memory_space<vmem>> -> memref<80x64xf32, #tpu.memory_space<vmem>>
    %dma_wait3A_472 = arith.constant 1280 : i32
    %dma_wait3A_473 = tpu.memref_slice %arg10[%dma_wait3A_472] : memref<1600xi32, #tpu.memory_space<vmem>> -> memref<80xi32, #tpu.memory_space<vmem>>
    %dma_wait3A_474 = arith.constant 0 : i32
    %dma_wait3A_475 = arith.constant 0 : i32
    %dma_wait3A_476 = tpu.memref_slice %arg2[%dma_wait3A_474, %dma_wait3A_475] : memref<100001x64xf32, #tpu.memory_space<hbm>> -> memref<100001x64xf32, #tpu.memory_space<hbm>>
    tpu.wait_indirect_dma semaphore(%arg12 : memref<!tpu.dma_semaphore, #tpu.memory_space<semaphore_mem>>) src(%dma_wait3A_476 : memref<100001x64xf32, #tpu.memory_space<hbm>>) dst(%dma_wait3A_471 : memref<80x64xf32, #tpu.memory_space<vmem>>)
    %dma_wait3A_477 = arith.constant 1360 : i32
    %dma_wait3A_478 = arith.constant 0 : i32
    %dma_wait3A_479 = tpu.memref_slice %arg11[%dma_wait3A_477, %dma_wait3A_478] : memref<1600x64xf32, #tpu.memory_space<vmem>> -> memref<80x64xf32, #tpu.memory_space<vmem>>
    %dma_wait3A_480 = arith.constant 1360 : i32
    %dma_wait3A_481 = tpu.memref_slice %arg10[%dma_wait3A_480] : memref<1600xi32, #tpu.memory_space<vmem>> -> memref<80xi32, #tpu.memory_space<vmem>>
    %dma_wait3A_482 = arith.constant 0 : i32
    %dma_wait3A_483 = arith.constant 0 : i32
    %dma_wait3A_484 = tpu.memref_slice %arg2[%dma_wait3A_482, %dma_wait3A_483] : memref<100001x64xf32, #tpu.memory_space<hbm>> -> memref<100001x64xf32, #tpu.memory_space<hbm>>
    tpu.wait_indirect_dma semaphore(%arg12 : memref<!tpu.dma_semaphore, #tpu.memory_space<semaphore_mem>>) src(%dma_wait3A_484 : memref<100001x64xf32, #tpu.memory_space<hbm>>) dst(%dma_wait3A_479 : memref<80x64xf32, #tpu.memory_space<vmem>>)
    %dma_wait3A_485 = arith.constant 1440 : i32
    %dma_wait3A_486 = arith.constant 0 : i32
    %dma_wait3A_487 = tpu.memref_slice %arg11[%dma_wait3A_485, %dma_wait3A_486] : memref<1600x64xf32, #tpu.memory_space<vmem>> -> memref<80x64xf32, #tpu.memory_space<vmem>>
    %dma_wait3A_488 = arith.constant 1440 : i32
    %dma_wait3A_489 = tpu.memref_slice %arg10[%dma_wait3A_488] : memref<1600xi32, #tpu.memory_space<vmem>> -> memref<80xi32, #tpu.memory_space<vmem>>
    %dma_wait3A_490 = arith.constant 0 : i32
    %dma_wait3A_491 = arith.constant 0 : i32
    %dma_wait3A_492 = tpu.memref_slice %arg2[%dma_wait3A_490, %dma_wait3A_491] : memref<100001x64xf32, #tpu.memory_space<hbm>> -> memref<100001x64xf32, #tpu.memory_space<hbm>>
    tpu.wait_indirect_dma semaphore(%arg12 : memref<!tpu.dma_semaphore, #tpu.memory_space<semaphore_mem>>) src(%dma_wait3A_492 : memref<100001x64xf32, #tpu.memory_space<hbm>>) dst(%dma_wait3A_487 : memref<80x64xf32, #tpu.memory_space<vmem>>)
    %dma_wait3A_493 = arith.constant 1520 : i32
    %dma_wait3A_494 = arith.constant 0 : i32
    %dma_wait3A_495 = tpu.memref_slice %arg11[%dma_wait3A_493, %dma_wait3A_494] : memref<1600x64xf32, #tpu.memory_space<vmem>> -> memref<80x64xf32, #tpu.memory_space<vmem>>
    %dma_wait3A_496 = arith.constant 1520 : i32
    %dma_wait3A_497 = tpu.memref_slice %arg10[%dma_wait3A_496] : memref<1600xi32, #tpu.memory_space<vmem>> -> memref<80xi32, #tpu.memory_space<vmem>>
    %dma_wait3A_498 = arith.constant 0 : i32
    %dma_wait3A_499 = arith.constant 0 : i32
    %dma_wait3A_500 = tpu.memref_slice %arg2[%dma_wait3A_498, %dma_wait3A_499] : memref<100001x64xf32, #tpu.memory_space<hbm>> -> memref<100001x64xf32, #tpu.memory_space<hbm>>
    tpu.wait_indirect_dma semaphore(%arg12 : memref<!tpu.dma_semaphore, #tpu.memory_space<semaphore_mem>>) src(%dma_wait3A_500 : memref<100001x64xf32, #tpu.memory_space<hbm>>) dst(%dma_wait3A_495 : memref<80x64xf32, #tpu.memory_space<vmem>>)
    "tpu.region"() ({
      %run_scoped3A = tpu.sem_alloc : memref<!tpu.dma_semaphore, #tpu.memory_space<semaphore_mem>>
      %dma_start3A_501 = arith.constant 0 : i32
      %dma_start3A_502 = arith.constant 0 : i32
      %dma_start3A_503 = tpu.memref_slice %arg11[%dma_start3A_501, %dma_start3A_502] : memref<1600x64xf32, #tpu.memory_space<vmem>> -> memref<1600x64xf32, #tpu.memory_space<vmem>>
      %dma_start3A_504 = arith.constant 0 : i32
      %dma_start3A_505 = tpu.memref_slice %arg9[%mul3A_180, %dma_start3A_504] : memref<51200x64xf32, #tpu.memory_space<hbm>> -> memref<1600x64xf32, #tpu.memory_space<hbm>>
      %dma_start3A_506 = arith.constant 0 : i32
      %dma_start3A_507 = tpu.memref_slice %arg9[%mul3A_180, %dma_start3A_506] : memref<51200x64xf32, #tpu.memory_space<hbm>> -> memref<1600x64xf32, #tpu.memory_space<hbm>>
      %dma_start3A_508 = arith.constant 0 : i32
      %dma_start3A_509 = arith.constant 0 : i32
      %dma_start3A_510 = tpu.memref_slice %arg11[%dma_start3A_508, %dma_start3A_509] : memref<1600x64xf32, #tpu.memory_space<vmem>> -> memref<1600x64xf32, #tpu.memory_space<vmem>>
      tpu.enqueue_dma source(%dma_start3A_510 : memref<1600x64xf32, #tpu.memory_space<vmem>>) target(%dma_start3A_507 : memref<1600x64xf32, #tpu.memory_space<hbm>>) target_semaphore(%run_scoped3A : memref<!tpu.dma_semaphore, #tpu.memory_space<semaphore_mem>>)
      %dma_wait3A_511 = arith.constant 0 : i32
      %dma_wait3A_512 = arith.constant 0 : i32
      %dma_wait3A_513 = tpu.memref_slice %arg11[%dma_wait3A_511, %dma_wait3A_512] : memref<1600x64xf32, #tpu.memory_space<vmem>> -> memref<1600x64xf32, #tpu.memory_space<vmem>>
      %dma_wait3A_514 = arith.constant 0 : i32
      %dma_wait3A_515 = tpu.memref_slice %arg9[%mul3A_180, %dma_wait3A_514] : memref<51200x64xf32, #tpu.memory_space<hbm>> -> memref<1600x64xf32, #tpu.memory_space<hbm>>
      %dma_wait3A_516 = arith.constant 0 : i32
      %dma_wait3A_517 = tpu.memref_slice %arg9[%mul3A_180, %dma_wait3A_516] : memref<51200x64xf32, #tpu.memory_space<hbm>> -> memref<1600x64xf32, #tpu.memory_space<hbm>>
      %dma_wait3A_518 = arith.constant 0 : i32
      %dma_wait3A_519 = arith.constant 0 : i32
      %dma_wait3A_520 = tpu.memref_slice %arg11[%dma_wait3A_518, %dma_wait3A_519] : memref<1600x64xf32, #tpu.memory_space<vmem>> -> memref<1600x64xf32, #tpu.memory_space<vmem>>
      tpu.wait_dma2 semaphore(%run_scoped3A : memref<!tpu.dma_semaphore, #tpu.memory_space<semaphore_mem>>) src(%dma_wait3A_520 : memref<1600x64xf32, #tpu.memory_space<vmem>>) dst(%dma_wait3A_517 : memref<1600x64xf32, #tpu.memory_space<hbm>>)
      tpu.yield
    }) : () -> ()
    return
  }
}

module attributes {stable_mosaic.version = 14 : i64} {
  func.func @_din_body(%arg0: i32, %arg1: memref<256x64xf32, #tpu.memory_space<vmem>>, %arg2: memref<256x256xf32, #tpu.memory_space<vmem>>, %arg3: memref<12800x64xf32, #tpu.memory_space<vmem>>, %arg4: memref<256x50xf32, #tpu.memory_space<vmem>>, %arg5: memref<128x256xbf16, #tpu.memory_space<vmem>>, %arg6: memref<256x256xbf16, #tpu.memory_space<vmem>>, %arg7: memref<1x256xf32, #tpu.memory_space<vmem>>, %arg8: memref<256x1xbf16, #tpu.memory_space<vmem>>, %arg9: memref<1x1xf32, #tpu.memory_space<vmem>>, %arg10: memref<256x64xf32, #tpu.memory_space<vmem>>) attributes {dimension_semantics = [#tpu.dimension_semantics<arbitrary>], iteration_bounds = array<i64: 4>, scalar_prefetch = 0 : i64, scratch_operands = 0 : i64, tpu.core_type = #tpu.core_type<tc>, window_params = [{transform_indices = @transform_0, window_bounds = array<i64: 256, 64>}, {transform_indices = @transform_1, window_bounds = array<i64: 256, 256>}, {transform_indices = @transform_2, window_bounds = array<i64: 12800, 64>}, {transform_indices = @transform_3, window_bounds = array<i64: 256, 50>}, {pipeline_mode = #tpu.pipeline_mode<synchronous>, transform_indices = @transform_4, window_bounds = array<i64: 128, 256>}, {pipeline_mode = #tpu.pipeline_mode<synchronous>, transform_indices = @transform_5, window_bounds = array<i64: 256, 256>}, {pipeline_mode = #tpu.pipeline_mode<synchronous>, transform_indices = @transform_6, window_bounds = array<i64: 1, 256>}, {pipeline_mode = #tpu.pipeline_mode<synchronous>, transform_indices = @transform_7, window_bounds = array<i64: 256, 1>}, {pipeline_mode = #tpu.pipeline_mode<synchronous>, transform_indices = @transform_8, window_bounds = array<i64: 1, 1>}, {transform_indices = @transform_9, window_bounds = array<i64: 256, 64>}]} {
    %get3A = arith.constant 0 : index
    %get3A_0 = arith.constant 0 : index
    %get3A_1 = vector.load %arg1[%get3A, %get3A_0] : memref<256x64xf32, #tpu.memory_space<vmem>>, vector<256x64xf32>
    %get3A_2 = arith.constant 0 : index
    %get3A_3 = arith.constant 0 : index
    %get3A_4 = vector.load %arg3[%get3A_2, %get3A_3] : memref<12800x64xf32, #tpu.memory_space<vmem>>, vector<12800x64xf32>
    %reshape3A = vector.shape_cast %get3A_4 : vector<12800x64xf32> to vector<256x50x64xf32>
    %get3A_5 = arith.constant 0 : index
    %get3A_6 = arith.constant 0 : index
    %get3A_7 = vector.load %arg2[%get3A_5, %get3A_6] : memref<256x256xf32, #tpu.memory_space<vmem>>, vector<256x256xf32>
    %slice3A = vector.extract_strided_slice %get3A_7 {offsets = [0, 0], sizes = [256, 192], strides = [1, 1]} : vector<256x256xf32> to vector<256x192xf32>
    %concatenate3A = tpu.concatenate %get3A_1, %slice3A in 1 : vector<256x64xf32>, vector<256x192xf32> -> vector<256x256xf32>
    %convert_element_type3A = arith.truncf %concatenate3A : vector<256x256xf32> to vector<256x256xbf16>
    %get3A_8 = arith.constant 0 : index
    %get3A_9 = arith.constant 0 : index
    %get3A_10 = vector.load %arg6[%get3A_8, %get3A_9] : memref<256x256xbf16, #tpu.memory_space<vmem>>, vector<256x256xbf16>
    %dot_general3A = arith.constant dense<0.000000e+00> : vector<256x256xf32>
    %dot_general3A_11 = tpu.matmul %convert_element_type3A, %get3A_10, %dot_general3A {dimension_numbers = #tpu.dot_dimension_numbers<[1], [0], [0], [1], [0, 0, 1, 1], [], []>, transpose_lhs_hint = false} : vector<256x256xbf16>, vector<256x256xbf16>, vector<256x256xf32> -> vector<256x256xf32>
    %get3A_12 = arith.constant 0 : index
    %get3A_13 = arith.constant 0 : index
    %get3A_14 = vector.load %arg7[%get3A_12, %get3A_13] : memref<1x256xf32, #tpu.memory_space<vmem>>, vector<1x256xf32>
    %add3A = vector.broadcast %get3A_14 : vector<1x256xf32> to vector<256x256xf32>
    %add3A_15 = arith.addf %dot_general3A_11, %add3A : vector<256x256xf32>
    %broadcast_in_dim3A = vector.shape_cast %get3A_1 : vector<256x64xf32> to vector<256x1x64xf32>
    %mul3A = vector.broadcast %broadcast_in_dim3A : vector<256x1x64xf32> to vector<256x50x64xf32>
    %mul3A_16 = arith.mulf %reshape3A, %mul3A : vector<256x50x64xf32>
    %reshape3A_17 = vector.shape_cast %mul3A_16 : vector<256x50x64xf32> to vector<12800x64xf32>
    %convert_element_type3A_18 = arith.truncf %get3A_4 : vector<12800x64xf32> to vector<12800x64xbf16>
    %get3A_19 = arith.constant 0 : index
    %get3A_20 = arith.constant 0 : index
    %get3A_21 = vector.load %arg5[%get3A_19, %get3A_20] : memref<128x256xbf16, #tpu.memory_space<vmem>>, vector<128x256xbf16>
    %slice3A_22 = vector.extract_strided_slice %get3A_21 {offsets = [0, 0], sizes = [64, 256], strides = [1, 1]} : vector<128x256xbf16> to vector<64x256xbf16>
    %dot_general3A_23 = arith.constant dense<0.000000e+00> : vector<12800x256xf32>
    %dot_general3A_24 = tpu.matmul %convert_element_type3A_18, %slice3A_22, %dot_general3A_23 {dimension_numbers = #tpu.dot_dimension_numbers<[1], [0], [0], [1], [0, 0, 1, 1], [], []>, transpose_lhs_hint = false} : vector<12800x64xbf16>, vector<64x256xbf16>, vector<12800x256xf32> -> vector<12800x256xf32>
    %convert_element_type3A_25 = arith.truncf %reshape3A_17 : vector<12800x64xf32> to vector<12800x64xbf16>
    %get3A_26 = arith.constant 0 : index
    %get3A_27 = arith.constant 0 : index
    %get3A_28 = vector.load %arg5[%get3A_26, %get3A_27] : memref<128x256xbf16, #tpu.memory_space<vmem>>, vector<128x256xbf16>
    %slice3A_29 = vector.extract_strided_slice %get3A_28 {offsets = [64, 0], sizes = [64, 256], strides = [1, 1]} : vector<128x256xbf16> to vector<64x256xbf16>
    %dot_general3A_30 = arith.constant dense<0.000000e+00> : vector<12800x256xf32>
    %dot_general3A_31 = tpu.matmul %convert_element_type3A_25, %slice3A_29, %dot_general3A_30 {dimension_numbers = #tpu.dot_dimension_numbers<[1], [0], [0], [1], [0, 0, 1, 1], [], []>, transpose_lhs_hint = false} : vector<12800x64xbf16>, vector<64x256xbf16>, vector<12800x256xf32> -> vector<12800x256xf32>
    %add3A_32 = arith.addf %dot_general3A_24, %dot_general3A_31 : vector<12800x256xf32>
    %reshape3A_33 = vector.shape_cast %add3A_32 : vector<12800x256xf32> to vector<256x50x256xf32>
    %broadcast_in_dim3A_34 = vector.shape_cast %add3A_15 : vector<256x256xf32> to vector<256x1x256xf32>
    %add3A_35 = vector.broadcast %broadcast_in_dim3A_34 : vector<256x1x256xf32> to vector<256x50x256xf32>
    %add3A_36 = arith.addf %reshape3A_33, %add3A_35 : vector<256x50x256xf32>
    %max3A = arith.constant 0.000000e+00 : f32
    %max3A_37 = vector.broadcast %max3A : f32 to vector<256x50x256xf32>
    %max3A_38 = arith.maximumf %add3A_36, %max3A_37 : vector<256x50x256xf32>
    %reshape3A_39 = vector.shape_cast %max3A_38 : vector<256x50x256xf32> to vector<12800x256xf32>
    %convert_element_type3A_40 = arith.truncf %reshape3A_39 : vector<12800x256xf32> to vector<12800x256xbf16>
    %get3A_41 = arith.constant 0 : index
    %get3A_42 = arith.constant 0 : index
    %get3A_43 = vector.load %arg8[%get3A_41, %get3A_42] : memref<256x1xbf16, #tpu.memory_space<vmem>>, vector<256x1xbf16>
    %dot_general3A_44 = arith.constant dense<0.000000e+00> : vector<12800x1xf32>
    %dot_general3A_45 = tpu.matmul %convert_element_type3A_40, %get3A_43, %dot_general3A_44 {dimension_numbers = #tpu.dot_dimension_numbers<[1], [0], [0], [1], [0, 0, 1, 1], [], []>, transpose_lhs_hint = false} : vector<12800x256xbf16>, vector<256x1xbf16>, vector<12800x1xf32> -> vector<12800x1xf32>
    %reshape3A_46 = vector.shape_cast %dot_general3A_45 : vector<12800x1xf32> to vector<256x50xf32>
    %get3A_47 = arith.constant 0 : index
    %get3A_48 = arith.constant 0 : index
    %get3A_49 = vector.load %arg9[%get3A_47, %get3A_48] : memref<1x1xf32, #tpu.memory_space<vmem>>, vector<1x1xf32>
    %add3A_50 = vector.broadcast %get3A_49 : vector<1x1xf32> to vector<256x50xf32>
    %add3A_51 = arith.addf %reshape3A_46, %add3A_50 : vector<256x50xf32>
    %get3A_52 = arith.constant 0 : index
    %get3A_53 = arith.constant 0 : index
    %get3A_54 = vector.load %arg4[%get3A_52, %get3A_53] : memref<256x50xf32, #tpu.memory_space<vmem>>, vector<256x50xf32>
    %lt3A = arith.constant 5.000000e-01 : f32
    %lt3A_55 = vector.broadcast %lt3A : f32 to vector<256x50xf32>
    %lt3A_56 = arith.cmpf olt, %get3A_54, %lt3A_55 : vector<256x50xf32>
    %jit3A = arith.constant -1.000000e+09 : f32
    %broadcast_in_dim3A_57 = vector.broadcast %jit3A : f32 to vector<256x50xf32>
    %select_n3A = arith.select %lt3A_56, %broadcast_in_dim3A_57, %add3A_51 : vector<256x50xi1>, vector<256x50xf32>
    %reduce_max3A = arith.constant dense<0xFF800000> : vector<256xf32>
    %reduce_max3A_58 = vector.multi_reduction <maximumf>, %select_n3A, %reduce_max3A [1] : vector<256x50xf32> to vector<256xf32>
    %broadcast_in_dim3A_59 = vector.shape_cast %reduce_max3A_58 : vector<256xf32> to vector<256x1xf32>
    %sub3A = vector.broadcast %broadcast_in_dim3A_59 : vector<256x1xf32> to vector<256x50xf32>
    %sub3A_60 = arith.subf %select_n3A, %sub3A : vector<256x50xf32>
    %exp3A = math.exp %sub3A_60 : vector<256x50xf32>
    %reduce_sum3A = arith.constant dense<0.000000e+00> : vector<256xf32>
    %reduce_sum3A_61 = vector.multi_reduction <add>, %exp3A, %reduce_sum3A [1] : vector<256x50xf32> to vector<256xf32>
    %broadcast_in_dim3A_62 = vector.shape_cast %reduce_sum3A_61 : vector<256xf32> to vector<256x1xf32>
    %div3A = vector.broadcast %broadcast_in_dim3A_62 : vector<256x1xf32> to vector<256x50xf32>
    %div3A_63 = arith.divf %exp3A, %div3A : vector<256x50xf32>
    %broadcast_in_dim3A_64 = vector.shape_cast %div3A_63 : vector<256x50xf32> to vector<256x50x1xf32>
    %mul3A_65 = vector.broadcast %broadcast_in_dim3A_64 : vector<256x50x1xf32> to vector<256x50x64xf32>
    %mul3A_66 = arith.mulf %mul3A_65, %reshape3A : vector<256x50x64xf32>
    %reduce_sum3A_67 = arith.constant dense<0.000000e+00> : vector<256x64xf32>
    %reduce_sum3A_68 = vector.multi_reduction <add>, %mul3A_66, %reduce_sum3A_67 [1] : vector<256x50x64xf32> to vector<256x64xf32>
    %swap3A = arith.constant 0 : index
    %swap3A_69 = arith.constant 0 : index
    %swap3A_70 = vector.load %arg10[%swap3A, %swap3A_69] : memref<256x64xf32, #tpu.memory_space<vmem>>, vector<256x64xf32>
    tpu.vector_store %arg10[%swap3A, %swap3A_69], %reduce_sum3A_68 {strides = array<i32>} : memref<256x64xf32, #tpu.memory_space<vmem>>, vector<256x64xf32>,
    return
  }
  func.func @transform_0(%arg0: i32) -> (i32, i32) {
    %c0_i32 = arith.constant 0 : i32
    %c0_i32_0 = arith.constant 0 : i32
    return %arg0, %c0_i32 : i32, i32
  }
  func.func @transform_1(%arg0: i32) -> (i32, i32) {
    %c0_i32 = arith.constant 0 : i32
    %c0_i32_0 = arith.constant 0 : i32
    return %arg0, %c0_i32 : i32, i32
  }
  func.func @transform_2(%arg0: i32) -> (i32, i32) {
    %c0_i32 = arith.constant 0 : i32
    %c0_i32_0 = arith.constant 0 : i32
    return %arg0, %c0_i32 : i32, i32
  }
  func.func @transform_3(%arg0: i32) -> (i32, i32) {
    %c0_i32 = arith.constant 0 : i32
    %c0_i32_0 = arith.constant 0 : i32
    return %arg0, %c0_i32 : i32, i32
  }
  func.func @transform_4(%arg0: i32) -> (i32, i32) {
    %c0_i32 = arith.constant 0 : i32
    %c0_i32_0 = arith.constant 0 : i32
    %c0_i32_1 = arith.constant 0 : i32
    return %c0_i32, %c0_i32_0 : i32, i32
  }
  func.func @transform_5(%arg0: i32) -> (i32, i32) {
    %c0_i32 = arith.constant 0 : i32
    %c0_i32_0 = arith.constant 0 : i32
    %c0_i32_1 = arith.constant 0 : i32
    return %c0_i32, %c0_i32_0 : i32, i32
  }
  func.func @transform_6(%arg0: i32) -> (i32, i32) {
    %c0_i32 = arith.constant 0 : i32
    %c0_i32_0 = arith.constant 0 : i32
    %c0_i32_1 = arith.constant 0 : i32
    return %c0_i32, %c0_i32_0 : i32, i32
  }
  func.func @transform_7(%arg0: i32) -> (i32, i32) {
    %c0_i32 = arith.constant 0 : i32
    %c0_i32_0 = arith.constant 0 : i32
    %c0_i32_1 = arith.constant 0 : i32
    return %c0_i32, %c0_i32_0 : i32, i32
  }
  func.func @transform_8(%arg0: i32) -> (i32, i32) {
    %c0_i32 = arith.constant 0 : i32
    %c0_i32_0 = arith.constant 0 : i32
    %c0_i32_1 = arith.constant 0 : i32
    return %c0_i32, %c0_i32_0 : i32, i32
  }
  func.func @transform_9(%arg0: i32) -> (i32, i32) {
    %c0_i32 = arith.constant 0 : i32
    %c0_i32_0 = arith.constant 0 : i32
    return %arg0, %c0_i32 : i32, i32
  }
}

module attributes {stable_mosaic.version = 14 : i64} {
  func.func @_cross_body(%arg0: i32, %arg1: memref<1024x64xf32, #tpu.memory_space<vmem>>, %arg2: memref<1024x1600xf32, #tpu.memory_space<vmem>>, %arg3: memref<1024x64xf32, #tpu.memory_space<vmem>>, %arg4: memref<2x1792x1792xf32, #tpu.memory_space<vmem>>, %arg5: memref<1x1792xf32, #tpu.memory_space<vmem>>, %arg6: memref<1x1792xf32, #tpu.memory_space<vmem>>, %arg7: memref<1024x1792xf32, #tpu.memory_space<vmem>>, %arg8: memref<1x1024xf32, #tpu.memory_space<vmem>>, %arg9: memref<512x1024xf32, #tpu.memory_space<vmem>>, %arg10: memref<1x512xf32, #tpu.memory_space<vmem>>, %arg11: memref<1x1792xf32, #tpu.memory_space<vmem>>, %arg12: memref<1x512xf32, #tpu.memory_space<vmem>>, %arg13: memref<1x1xf32, #tpu.memory_space<vmem>>, %arg14: memref<1024x1xf32, #tpu.memory_space<vmem>>) attributes {dimension_semantics = [#tpu.dimension_semantics<arbitrary>], iteration_bounds = array<i64: 1>, scalar_prefetch = 0 : i64, scratch_operands = 0 : i64, tpu.core_type = #tpu.core_type<tc>, window_params = [{pipeline_mode = #tpu.pipeline_mode<synchronous>, transform_indices = @transform_0, window_bounds = array<i64: 1024, 64>}, {pipeline_mode = #tpu.pipeline_mode<synchronous>, transform_indices = @transform_1, window_bounds = array<i64: 1024, 1600>}, {pipeline_mode = #tpu.pipeline_mode<synchronous>, transform_indices = @transform_2, window_bounds = array<i64: 1024, 64>}, {transform_indices = @transform_3, window_bounds = array<i64: 2, 1792, 1792>}, {pipeline_mode = #tpu.pipeline_mode<synchronous>, transform_indices = @transform_4, window_bounds = array<i64: 1, 1792>}, {pipeline_mode = #tpu.pipeline_mode<synchronous>, transform_indices = @transform_5, window_bounds = array<i64: 1, 1792>}, {transform_indices = @transform_6, window_bounds = array<i64: 1024, 1792>}, {pipeline_mode = #tpu.pipeline_mode<synchronous>, transform_indices = @transform_7, window_bounds = array<i64: 1, 1024>}, {pipeline_mode = #tpu.pipeline_mode<synchronous>, transform_indices = @transform_8, window_bounds = array<i64: 512, 1024>}, {pipeline_mode = #tpu.pipeline_mode<synchronous>, transform_indices = @transform_9, window_bounds = array<i64: 1, 512>}, {pipeline_mode = #tpu.pipeline_mode<synchronous>, transform_indices = @transform_10, window_bounds = array<i64: 1, 1792>}, {pipeline_mode = #tpu.pipeline_mode<synchronous>, transform_indices = @transform_11, window_bounds = array<i64: 1, 512>}, {pipeline_mode = #tpu.pipeline_mode<synchronous>, transform_indices = @transform_12, window_bounds = array<i64: 1, 1>}, {pipeline_mode = #tpu.pipeline_mode<synchronous>, transform_indices = @transform_13, window_bounds = array<i64: 1024, 1>}]} {
    %broadcast_in_dim3A = arith.constant 0.000000e+00 : f32
    %broadcast_in_dim3A_0 = vector.broadcast %broadcast_in_dim3A : f32 to vector<1024x64xf32>
    %get3A = arith.constant 0 : index
    %get3A_1 = arith.constant 0 : index
    %get3A_2 = vector.load %arg1[%get3A, %get3A_1] : memref<1024x64xf32, #tpu.memory_space<vmem>>, vector<1024x64xf32>
    %get3A_3 = arith.constant 0 : index
    %get3A_4 = arith.constant 0 : index
    %get3A_5 = vector.load %arg2[%get3A_3, %get3A_4] : memref<1024x1600xf32, #tpu.memory_space<vmem>>, vector<1024x1600xf32>
    %get3A_6 = arith.constant 0 : index
    %get3A_7 = arith.constant 0 : index
    %get3A_8 = vector.load %arg3[%get3A_6, %get3A_7] : memref<1024x64xf32, #tpu.memory_space<vmem>>, vector<1024x64xf32>
    %concatenate3A = tpu.concatenate %get3A_2, %get3A_5, %get3A_8, %broadcast_in_dim3A_0 in 1 : vector<1024x64xf32>, vector<1024x1600xf32>, vector<1024x64xf32>, vector<1024x64xf32> -> vector<1024x1792xf32>
    %convert_element_type3A = arith.truncf %concatenate3A : vector<1024x1792xf32> to vector<1024x1792xbf16>
    %get3A_9 = arith.constant 0 : index
    %get3A_10 = arith.constant 0 : index
    %get3A_11 = arith.constant 0 : index
    %get3A_12 = vector.load %arg4[%get3A_9, %get3A_10, %get3A_11] : memref<2x1792x1792xf32, #tpu.memory_space<vmem>>, vector<1x1792x1792xf32>
    %get3A_13 = vector.shape_cast %get3A_12 : vector<1x1792x1792xf32> to vector<1792x1792xf32>
    %convert_element_type3A_14 = arith.truncf %get3A_13 : vector<1792x1792xf32> to vector<1792x1792xbf16>
    %get3A_15 = arith.constant 1 : index
    %get3A_16 = arith.constant 0 : index
    %get3A_17 = arith.constant 0 : index
    %get3A_18 = vector.load %arg4[%get3A_15, %get3A_16, %get3A_17] : memref<2x1792x1792xf32, #tpu.memory_space<vmem>>, vector<1x1792x1792xf32>
    %get3A_19 = vector.shape_cast %get3A_18 : vector<1x1792x1792xf32> to vector<1792x1792xf32>
    %convert_element_type3A_20 = arith.truncf %get3A_19 : vector<1792x1792xf32> to vector<1792x1792xbf16>
    %dot_general3A = arith.constant dense<0.000000e+00> : vector<1024x1792xf32>
    %dot_general3A_21 = tpu.matmul %convert_element_type3A, %convert_element_type3A_14, %dot_general3A {dimension_numbers = #tpu.dot_dimension_numbers<[1], [0], [0], [1], [0, 0, 1, 1], [], []>, transpose_lhs_hint = false} : vector<1024x1792xbf16>, vector<1792x1792xbf16>, vector<1024x1792xf32> -> vector<1024x1792xf32>
    %get3A_22 = arith.constant 0 : index
    %get3A_23 = arith.constant 0 : index
    %get3A_24 = vector.load %arg5[%get3A_22, %get3A_23] : memref<1x1792xf32, #tpu.memory_space<vmem>>, vector<1x1792xf32>
    %add3A = vector.broadcast %get3A_24 : vector<1x1792xf32> to vector<1024x1792xf32>
    %add3A_25 = arith.addf %dot_general3A_21, %add3A : vector<1024x1792xf32>
    %mul3A = arith.mulf %concatenate3A, %add3A_25 : vector<1024x1792xf32>
    %add3A_26 = arith.addf %mul3A, %concatenate3A : vector<1024x1792xf32>
    %convert_element_type3A_27 = arith.truncf %add3A_26 : vector<1024x1792xf32> to vector<1024x1792xbf16>
    %dot_general3A_28 = arith.constant dense<0.000000e+00> : vector<1024x1792xf32>
    %dot_general3A_29 = tpu.matmul %convert_element_type3A_27, %convert_element_type3A_20, %dot_general3A_28 {dimension_numbers = #tpu.dot_dimension_numbers<[1], [0], [0], [1], [0, 0, 1, 1], [], []>, transpose_lhs_hint = false} : vector<1024x1792xbf16>, vector<1792x1792xbf16>, vector<1024x1792xf32> -> vector<1024x1792xf32>
    %get3A_30 = arith.constant 0 : index
    %get3A_31 = arith.constant 0 : index
    %get3A_32 = vector.load %arg6[%get3A_30, %get3A_31] : memref<1x1792xf32, #tpu.memory_space<vmem>>, vector<1x1792xf32>
    %add3A_33 = vector.broadcast %get3A_32 : vector<1x1792xf32> to vector<1024x1792xf32>
    %add3A_34 = arith.addf %dot_general3A_29, %add3A_33 : vector<1024x1792xf32>
    %mul3A_35 = arith.mulf %concatenate3A, %add3A_34 : vector<1024x1792xf32>
    %add3A_36 = arith.addf %mul3A_35, %add3A_26 : vector<1024x1792xf32>
    %get3A_37 = arith.constant 0 : index
    %get3A_38 = arith.constant 0 : index
    %get3A_39 = vector.load %arg7[%get3A_37, %get3A_38] : memref<1024x1792xf32, #tpu.memory_space<vmem>>, vector<1024x1792xf32>
    %convert_element_type3A_40 = arith.truncf %get3A_39 : vector<1024x1792xf32> to vector<1024x1792xbf16>
    %dot_general3A_41 = arith.constant dense<0.000000e+00> : vector<1024x1024xf32>
    %dot_general3A_42 = tpu.matmul %convert_element_type3A, %convert_element_type3A_40, %dot_general3A_41 {dimension_numbers = #tpu.dot_dimension_numbers<[1], [1], [0], [0], [0, 0, 1, 0], [], []>, transpose_lhs_hint = false} : vector<1024x1792xbf16>, vector<1024x1792xbf16>, vector<1024x1024xf32> -> vector<1024x1024xf32>
    %get3A_43 = arith.constant 0 : index
    %get3A_44 = arith.constant 0 : index
    %get3A_45 = vector.load %arg8[%get3A_43, %get3A_44] : memref<1x1024xf32, #tpu.memory_space<vmem>>, vector<1x1024xf32>
    %add3A_46 = vector.broadcast %get3A_45 : vector<1x1024xf32> to vector<1024x1024xf32>
    %add3A_47 = arith.addf %dot_general3A_42, %add3A_46 : vector<1024x1024xf32>
    %max3A = arith.constant 0.000000e+00 : f32
    %max3A_48 = vector.broadcast %max3A : f32 to vector<1024x1024xf32>
    %max3A_49 = arith.maximumf %add3A_47, %max3A_48 : vector<1024x1024xf32>
    %convert_element_type3A_50 = arith.truncf %max3A_49 : vector<1024x1024xf32> to vector<1024x1024xbf16>
    %get3A_51 = arith.constant 0 : index
    %get3A_52 = arith.constant 0 : index
    %get3A_53 = vector.load %arg9[%get3A_51, %get3A_52] : memref<512x1024xf32, #tpu.memory_space<vmem>>, vector<512x1024xf32>
    %convert_element_type3A_54 = arith.truncf %get3A_53 : vector<512x1024xf32> to vector<512x1024xbf16>
    %dot_general3A_55 = arith.constant dense<0.000000e+00> : vector<1024x512xf32>
    %dot_general3A_56 = tpu.matmul %convert_element_type3A_50, %convert_element_type3A_54, %dot_general3A_55 {dimension_numbers = #tpu.dot_dimension_numbers<[1], [1], [0], [0], [0, 0, 1, 0], [], []>, transpose_lhs_hint = false} : vector<1024x1024xbf16>, vector<512x1024xbf16>, vector<1024x512xf32> -> vector<1024x512xf32>
    %get3A_57 = arith.constant 0 : index
    %get3A_58 = arith.constant 0 : index
    %get3A_59 = vector.load %arg10[%get3A_57, %get3A_58] : memref<1x512xf32, #tpu.memory_space<vmem>>, vector<1x512xf32>
    %add3A_60 = vector.broadcast %get3A_59 : vector<1x512xf32> to vector<1024x512xf32>
    %add3A_61 = arith.addf %dot_general3A_56, %add3A_60 : vector<1024x512xf32>
    %max3A_62 = arith.constant 0.000000e+00 : f32
    %max3A_63 = vector.broadcast %max3A_62 : f32 to vector<1024x512xf32>
    %max3A_64 = arith.maximumf %add3A_61, %max3A_63 : vector<1024x512xf32>
    %get3A_65 = arith.constant 0 : index
    %get3A_66 = arith.constant 0 : index
    %get3A_67 = vector.load %arg11[%get3A_65, %get3A_66] : memref<1x1792xf32, #tpu.memory_space<vmem>>, vector<1x1792xf32>
    %mul3A_68 = vector.broadcast %get3A_67 : vector<1x1792xf32> to vector<1024x1792xf32>
    %mul3A_69 = arith.mulf %add3A_36, %mul3A_68 : vector<1024x1792xf32>
    %reduce_sum3A = arith.constant dense<0.000000e+00> : vector<1024xf32>
    %reduce_sum3A_70 = vector.multi_reduction <add>, %mul3A_69, %reduce_sum3A [1] : vector<1024x1792xf32> to vector<1024xf32>
    %broadcast_in_dim3A_71 = vector.shape_cast %reduce_sum3A_70 : vector<1024xf32> to vector<1024x1xf32>
    %get3A_72 = arith.constant 0 : index
    %get3A_73 = arith.constant 0 : index
    %get3A_74 = vector.load %arg12[%get3A_72, %get3A_73] : memref<1x512xf32, #tpu.memory_space<vmem>>, vector<1x512xf32>
    %mul3A_75 = vector.broadcast %get3A_74 : vector<1x512xf32> to vector<1024x512xf32>
    %mul3A_76 = arith.mulf %max3A_64, %mul3A_75 : vector<1024x512xf32>
    %reduce_sum3A_77 = arith.constant dense<0.000000e+00> : vector<1024xf32>
    %reduce_sum3A_78 = vector.multi_reduction <add>, %mul3A_76, %reduce_sum3A_77 [1] : vector<1024x512xf32> to vector<1024xf32>
    %broadcast_in_dim3A_79 = vector.shape_cast %reduce_sum3A_78 : vector<1024xf32> to vector<1024x1xf32>
    %add3A_80 = arith.addf %broadcast_in_dim3A_71, %broadcast_in_dim3A_79 : vector<1024x1xf32>
    %get3A_81 = arith.constant 0 : index
    %get3A_82 = arith.constant 0 : index
    %get3A_83 = vector.load %arg13[%get3A_81, %get3A_82] : memref<1x1xf32, #tpu.memory_space<vmem>>, vector<1x1xf32>
    %add3A_84 = vector.broadcast %get3A_83 : vector<1x1xf32> to vector<1024x1xf32>
    %add3A_85 = arith.addf %add3A_80, %add3A_84 : vector<1024x1xf32>
    %swap3A = arith.constant 0 : index
    %swap3A_86 = arith.constant 0 : index
    %swap3A_87 = vector.load %arg14[%swap3A, %swap3A_86] : memref<1024x1xf32, #tpu.memory_space<vmem>>, vector<1024x1xf32>
    tpu.vector_store %arg14[%swap3A, %swap3A_86], %add3A_85 {strides = array<i32>} : memref<1024x1xf32, #tpu.memory_space<vmem>>, vector<1024x1xf32>,
    return
  }
  func.func @transform_0(%arg0: i32) -> (i32, i32) {
    %c0_i32 = arith.constant 0 : i32
    %c0_i32_0 = arith.constant 0 : i32
    %c0_i32_1 = arith.constant 0 : i32
    return %c0_i32, %c0_i32_0 : i32, i32
  }
  func.func @transform_1(%arg0: i32) -> (i32, i32) {
    %c0_i32 = arith.constant 0 : i32
    %c0_i32_0 = arith.constant 0 : i32
    %c0_i32_1 = arith.constant 0 : i32
    return %c0_i32, %c0_i32_0 : i32, i32
  }
  func.func @transform_2(%arg0: i32) -> (i32, i32) {
    %c0_i32 = arith.constant 0 : i32
    %c0_i32_0 = arith.constant 0 : i32
    %c0_i32_1 = arith.constant 0 : i32
    return %c0_i32, %c0_i32_0 : i32, i32
  }
  func.func @transform_3(%arg0: i32) -> (i32, i32, i32) {
    %c0_i32 = arith.constant 0 : i32
    %c0_i32_0 = arith.constant 0 : i32
    %c0_i32_1 = arith.constant 0 : i32
    %c0_i32_2 = arith.constant 0 : i32
    return %c0_i32, %c0_i32_0, %c0_i32_1 : i32, i32, i32
  }
  func.func @transform_4(%arg0: i32) -> (i32, i32) {
    %c0_i32 = arith.constant 0 : i32
    %c0_i32_0 = arith.constant 0 : i32
    %c0_i32_1 = arith.constant 0 : i32
    return %c0_i32, %c0_i32_0 : i32, i32
  }
  func.func @transform_5(%arg0: i32) -> (i32, i32) {
    %c0_i32 = arith.constant 0 : i32
    %c0_i32_0 = arith.constant 0 : i32
    %c0_i32_1 = arith.constant 0 : i32
    return %c0_i32, %c0_i32_0 : i32, i32
  }
  func.func @transform_6(%arg0: i32) -> (i32, i32) {
    %c0_i32 = arith.constant 0 : i32
    %c0_i32_0 = arith.constant 0 : i32
    %c0_i32_1 = arith.constant 0 : i32
    return %c0_i32, %c0_i32_0 : i32, i32
  }
  func.func @transform_7(%arg0: i32) -> (i32, i32) {
    %c0_i32 = arith.constant 0 : i32
    %c0_i32_0 = arith.constant 0 : i32
    %c0_i32_1 = arith.constant 0 : i32
    return %c0_i32, %c0_i32_0 : i32, i32
  }
  func.func @transform_8(%arg0: i32) -> (i32, i32) {
    %c0_i32 = arith.constant 0 : i32
    %c0_i32_0 = arith.constant 0 : i32
    %c0_i32_1 = arith.constant 0 : i32
    return %c0_i32, %c0_i32_0 : i32, i32
  }
  func.func @transform_9(%arg0: i32) -> (i32, i32) {
    %c0_i32 = arith.constant 0 : i32
    %c0_i32_0 = arith.constant 0 : i32
    %c0_i32_1 = arith.constant 0 : i32
    return %c0_i32, %c0_i32_0 : i32, i32
  }
  func.func @transform_10(%arg0: i32) -> (i32, i32) {
    %c0_i32 = arith.constant 0 : i32
    %c0_i32_0 = arith.constant 0 : i32
    %c0_i32_1 = arith.constant 0 : i32
    return %c0_i32, %c0_i32_0 : i32, i32
  }
  func.func @transform_11(%arg0: i32) -> (i32, i32) {
    %c0_i32 = arith.constant 0 : i32
    %c0_i32_0 = arith.constant 0 : i32
    %c0_i32_1 = arith.constant 0 : i32
    return %c0_i32, %c0_i32_0 : i32, i32
  }
  func.func @transform_12(%arg0: i32) -> (i32, i32) {
    %c0_i32 = arith.constant 0 : i32
    %c0_i32_0 = arith.constant 0 : i32
    %c0_i32_1 = arith.constant 0 : i32
    return %c0_i32, %c0_i32_0 : i32, i32
  }
  func.func @transform_13(%arg0: i32) -> (i32, i32) {
    %c0_i32 = arith.constant 0 : i32
    %c0_i32_0 = arith.constant 0 : i32
    %c0_i32_1 = arith.constant 0 : i32
    return %c0_i32, %c0_i32_0 : i32, i32
  }
}

</mosaic_0001>

<sc_bundles>
// kernel: kernel.5.cloned.1.call-start
scs
__scs_entry_jumppad:
0x0: {  	(pc) =	sbr.rel $0x88, $3  }
0x1: {  	(tag) =	ssettag $0x0;
	lr =	simm.s32 $0x1  }
0x2: {  	[smem:$0x3F90] =	sst lr;
	_ =	strace $0xD0000000  }
0x3: {  	_ = 	snop  }
0x4: {  	_ = 	snop  }
0x5: {  	_ = 	snop  }
0x6: {  	_ = 	snop  }
0x7: {  	_ = 	snop  }
__scs_overlays_trampoline_lowered:
0x8: {  	[smem:$0x3F9F] =	sst s0  }
0x9: {  	[smem:$0x3FA0] =	sst s1  }
0xa: {  	[smem:$0x3FA1] =	sst s2  }
0xb: {  	[smem:$0x3FA2] =	sst s3  }
0xc: {  	[smem:$0x3FA3] =	sst s4  }
0xd: {  	[smem:$0x3FA4] =	sst s5  }
0xe: {  	[smem:$0x3FA5] =	sst s6  }
0xf: {  	[smem:$0x3FA6] =	sst s7  }
0x10: {  	[smem:$0x3FA7] =	sst s8  }
0x11: {  	[smem:$0x3FA8] =	sst s9;
	s0 =	simm.s32 @!p0 $0x0  }
0x12: {  	s1 =	sld [smem:$0x3F8E];
	s0 =	simm.s32 @p0 $0x1  }
0x13: {  	[smem:$0x3FA9] =	sst s0;
	s0 =	simm.s32 @!p1 $0x0  }
0x14: {  	s2 =	sld [smem:$0x3F8D];
	s0 =	simm.s32 @p1 $0x1  }
0x15: {  	[smem:$0x3FAA] =	sst s0;
	s0 =	simm.s32 @!p2 $0x0  }
0x16: {  	s3 =	sld [smem:$0x3FDB];
	s0 =	simm.s32 @p2 $0x1  }
0x17: {  	s4 =	simm.s32 $0x1BF5;
	[smem:$0x3FAC] =	sst s0  }
0x18: {  	s0 =	sld [smem:$0x3F8F];
	_ =	swait.ge [sflag:s4], $0x0  }
0x19: {  	s7 =	sld [smem:$0x3F90]  }
0x1a: {  	s8 =	sadd.s32 $0xFFFFE003, lr  }
0x1b: {  	s9 =	sadd.s32 $0xFFFFFEF7, lr;
	s5 =	simm.s32 $0xFFFFFFFF;
	p2 =	slt.u32 s8, $0xFFFFF086  }
0x1c: {  	p1 =	slt.u32 s9, $0xF7A;
	s5 =	simm.s32 @!p2 $0x0  }
0x1d: {  	s5 =	simm.s32 @p1 $0x1;
	p0 =	seq.s32 s7, s2  }
0x1e: {  	s7 =	smul.u32 @!p0 $0xF7A, s2;
	p2 =	seq.s32 @!p0 s5, $0x0  }
0x1f: {  	s9 =	smul.u32 $0xF7A, s1;
	s8 =	simm.s32 @!p0 $0x1BF5;
	p2 =	por !p2, p0  }
0x20: {  	[sflag:s8] =	ssyncset.s32 @!p0 $0xFFFFF086;
	s6 =	sadd.s32 @!p0 s3, s7;
	s7 =	simm.s32 @!p0 $0x108  }
0x21: {  	s3 =	sadd.s32 s3, s9;
	s6 =	sadd.s32 @!p0 $0x88, s6;
	s7 =	simm.s32 @p2 $0x1082  }
0x22: {  	[simem:s7], [sflag:s8] =	dma.local @!p0 [hbm:s6], $0xF7A  }
0x23: {  	s9 =	sor.u32 $0xD0000000, s2;
	s6 =	simm.s32 $0x108;
	_ =	swait.ge @!p0 [sflag:s8], $0x0  }
0x24: {  	s3 =	sadd.s32 $0x88, s3;
	s6 =	simm.s32 @!p1 $0x1082;
	[sflag:s4] =	ssyncset.s32 $0xFFFFF086  }
0x25: {  	[simem:s6], [sflag:s4] =	dma.local [hbm:s3], $0xF7A  }
0x26: {  	[smem:$0x3F90] =	sst s1;
	(tag) =	ssettag s2;
	_ =	strace s9  }
0x27: {  	s1 =	sld [smem:$0x3FA0]  }
0x28: {  	s2 =	sld [smem:$0x3FA1]  }
0x29: {  	s4 =	sld [smem:$0x3FA3]  }
0x2a: {  	p0 =	seq.s32 s5, $0x0;
	s5 =	sld [smem:$0x3FA4]  }
0x2b: {  	s6 =	sld [smem:$0x3FA5]  }
0x2c: {  	s7 =	sld [smem:$0x3FA6]  }
0x2d: {  	s3 =	simm.s32 $0x108;
	s8 =	sld [smem:$0x3FA7]  }
0x2e: {  	s3 =	simm.s32 @!p0 $0x1082;
	s9 =	sld [smem:$0x3FA8]  }
0x2f: {  	lr =	sadd.s32 s0, s3;
	s0 =	sld [smem:$0x3F9F]  }
0x30: {  	s3 =	sld [smem:$0x3FA2]  }
0x31: {  	[smem:$0x3FAB] =	sst s10  }
0x32: {  	s10 =	sld [smem:$0x3FA9];
	_ =	sdelay $0x3  }
0x33: {  	p0 =	seq.s32 s10, $0x1;
	s10 =	sld [smem:$0x3FAB];
	_ =	sdelay $0x3  }
0x34: {  	[smem:$0x3FAB] =	sst s10  }
0x35: {  	s10 =	sld [smem:$0x3FAA];
	_ =	sdelay $0x3  }
0x36: {  	p1 =	seq.s32 s10, $0x1;
	s10 =	sld [smem:$0x3FAB];
	_ =	sdelay $0x3  }
0x37: {  	[smem:$0x3FAB] =	sst s10  }
0x38: {  	s10 =	sld [smem:$0x3FAC]  }
0x39: {  	_ = 	snop;
	(pc) =	sbr.ind lr, $3  }
0x3a: {  	_ = 	snop  }
0x3b: {  	_ = 	snop  }
0x3c: {  	p2 =	seq.s32 s10, $0x1;
	s10 =	sld [smem:$0x3FAB]  }
0x3d: {  	_ =	shalt  }
0x3e: {  	_ =	shalt  }
0x3f: {  	_ =	shalt  }
0x40: {  	_ =	shalt  }
0x41: {  	_ =	shalt  }
0x42: {  	_ =	shalt  }
0x43: {  	_ =	shalt  }
0x44: {  	_ =	shalt  }
0x45: {  	_ =	shalt  }
0x46: {  	_ =	shalt  }
0x47: {  	_ =	shalt  }
0x48: {  	_ =	shalt  }
0x49: {  	_ =	shalt  }
0x4a: {  	_ =	shalt  }
0x4b: {  	_ =	shalt  }
0x4c: {  	_ =	shalt  }
0x4d: {  	_ =	shalt  }
0x4e: {  	_ =	shalt  }
0x4f: {  	_ =	shalt  }
0x50: {  	_ =	shalt  }
0x51: {  	_ =	shalt  }
0x52: {  	_ =	shalt  }
0x53: {  	_ =	shalt  }
0x54: {  	_ =	shalt  }
0x55: {  	_ =	shalt  }
0x56: {  	_ =	shalt  }
0x57: {  	_ =	shalt  }
0x58: {  	_ =	shalt  }
0x59: {  	_ =	shalt  }
0x5a: {  	_ =	shalt  }
0x5b: {  	_ =	shalt  }
0x5c: {  	_ =	shalt  }
0x5d: {  	_ =	shalt  }
0x5e: {  	_ =	shalt  }
0x5f: {  	_ =	shalt  }
0x60: {  	_ =	shalt  }
0x61: {  	_ =	shalt  }
0x62: {  	_ =	shalt  }
0x63: {  	_ =	shalt  }
0x64: {  	_ =	shalt  }
0x65: {  	_ =	shalt  }
0x66: {  	_ =	shalt  }
0x67: {  	_ =	shalt  }
0x68: {  	_ =	shalt  }
0x69: {  	_ =	shalt  }
0x6a: {  	_ =	shalt  }
0x6b: {  	_ =	shalt  }
0x6c: {  	_ =	shalt  }
0x6d: {  	_ =	shalt  }
0x6e: {  	_ =	shalt  }
0x6f: {  	_ =	shalt  }
0x70: {  	_ =	shalt  }
0x71: {  	_ =	shalt  }
0x72: {  	_ =	shalt  }
0x73: {  	_ =	shalt  }
0x74: {  	_ =	shalt  }
0x75: {  	_ =	shalt  }
0x76: {  	_ =	shalt  }
0x77: {  	_ =	shalt  }
0x78: {  	_ =	shalt  }
0x79: {  	_ =	shalt  }
0x7a: {  	_ =	shalt  }
0x7b: {  	_ =	shalt  }
0x7c: {  	_ =	shalt  }
0x7d: {  	_ =	shalt  }
0x7e: {  	_ =	shalt  }
0x7f: {  	_ =	shalt  }
0x80: {  	_ =	shalt  }
0x81: {  	_ =	shalt  }
0x82: {  	_ =	shalt  }
0x83: {  	_ =	shalt  }
0x84: {  	_ =	shalt  }
0x85: {  	_ =	shalt  }
0x86: {  	_ =	shalt  }
0x87: {  	_ =	shalt  }
.Lfunc_end0:
.L_simem_size_0:
called_computation_lowered:
.L_overlay_start_0:
0x88: {  	s2 =	sld [smem:$0x3FD9]  }
0x89: {  	s3 =	sld [smem:$0x3FFE];
	_ =	sdelay $0x1  }
0x8a: {  	s1 =	srdreg.scid  }
0x8b: {  	s0 =	sand.u32 $0x1, s1  }
0x8c: {  	s17 =	sshll.u32 s0, $0xA;
	s2 =	sadd.s32 s3, s2  }
0x8d: {  	s2 =	sadd.s32 s2, s17  }
0x8e: {  	[smem:$0x3FB7] =	sst s2  }
0x8f: {  	_ = 	snop  }
0x90: {  	s2 =	sld [smem:$0x3FD0];
	(tm) =	ssettm $0x1  }
0x91: {  	s18 =	sld [smem:$0x3FFB];
	_ =	sdelay $0x3  }
0x92: {  	_ =	strace s18  }
0x93: {  	s3 =	sld [smem:$0x3FFC];
	_ =	sdelay $0x3  }
0x94: {  	_ =	strace s3  }
0x95: {  	s3 =	sld [smem:$0x3FFD];
	_ =	sdelay $0x3  }
0x96: {  	_ =	strace s3  }
0x97: {  	_ =	strace $0x8FFFFFFF  }
0x98: {  	s19 =	sld [smem:$0x3FDB];
	_ =	sdelay $0x1  }
0x99: {  	s4 =	simm.s32 $_scs_section_size  }
0x9a: {  	s5 =	simm.s32 $_size__tile_overlayer_lowered;
	s6 =	simm.s32 $_tile_overlayer_lowered  }
0x9b: {  	s22 =	simm.s32 $0x1BFF;
	s21 =	sshll.u32 s6, $0x1;
	s3 =	sadd.s32 s4, s19  }
0x9c: {  	s7 =	simm.s32 $0x0;
	s20 =	sshll.u32 s5, $0x1;
	s5 =	sadd.s32 s21, s3  }
0x9d: {  	[timem:s7], [sflag:s22] =	dma.local [hbm:s5], s20  }
0x9e: {  	_ =	swait.ge [sflag:s22], s20  }
0x9f: {  	s4 =	ssub.s32 $0x0, s20;
	[sflag:s22] =	ssyncset.done $0x0  }
0xa0: {  	[sflag:s22] =	ssyncadd.s32 s4;
	_ =	sdelay $0x1  }
0xa1: {  	s23 =	simm.s32 $0x1B8B  }
0xa2: {  	_ =	swait.ge [sflag:s23], $0x1  }
0xa3: {  	[sflag:s23] =	ssyncset.done $0x0  }
0xa4: {  	s25 =	simm.s32 $0x1B8E;
	s24 =	sld [smem:$0x3FFE];
	[sflag:s23] =	ssyncadd.s32 $0xFFFFFFFF  }
0xa5: {  	s26 =	simm.s32 $execute0_lowered;
	[smem:$0x3FD2] =	sst s25  }
0xa6: {  	s5 =	sshll.u32 s26, $0x1;
	_ =	strace $0x80000046;
	[dreg:$0x1] =	wrdreg $0xFFFFFFFF  }
0xa7: {  	s28 =	simm.s32 $_size_execute0_lowered;
	s3 =	sadd.s32 s3, s5;
	[dreg:$0x0] =	wrdreg $0x0  }
0xa8: {  	s5 =	sshll.u32 s28, $0x1;
	[dreg:$0x2] =	wrdreg s3  }
0xa9: {  	[dreg:$0x3] =	wrdreg s5  }
0xaa: {  	[dreg:$0x4] =	wrdreg $0xC0  }
0xab: {  	_ =	task [dreg:s7], $0x5FFFF  }
0xac: {  	[dreg:$0x1] =	wrdreg $0xFFFFFFFF  }
0xad: {  	[dreg:$0x0] =	wrdreg $0x60  }
0xae: {  	[dreg:$0x2] =	wrdreg s24  }
0xaf: {  	[dreg:$0x3] =	wrdreg s2  }
0xb0: {  	[dreg:$0x4] =	wrdreg $0x9  }
0xb1: {  	_ =	task.clear_ibuf [dreg:s7], $0x5FFFF;
	_ =	strace $0x90000046  }
0xb2: {  	s29 =	simm.s32 $0x9;
	_ =	strace $0x80000048  }
0xb3: {  	_ =	swait.ge [sflag:s29], $0x1  }
0xb4: {  	[sflag:s29] =	ssyncadd.s32 $0xFFFFFFFF  }
0xb5: {  	_ =	strace $0x90000048  }
0xb6: {  	_ =	sfence  }
0xb7: {  	s30 =	sld [smem:$0x0];
	_ =	sdelay $0x2  }
0xb8: {  	s31 =	sshll.u32 s1, $0xD;
	s1 =	sshrl.u32 s1, $0x2  }
0xb9: {  	s3 =	sand.u32 $0x4000, s31;
	s1 =	sadd.s32 s1, s30  }
0xba: {  	s0 =	sor.u32 s3, s0;
	s1 =	sshll.u32 s1, $0x11  }
0xbb: {  	s0 =	sor.u32 s1, s0  }
0xbc: {  	s0 =	sadd.s32 $0x8F2B, s0  }
0xbd: {  	[sflag:s0] =	ssyncadd.remote.s32 $0x1  }
0xbe: {  	_ =	sfence.sel $0xFFFF  }
0xbf: {  	[dreg:$0x0] =	wrdreg $0xFFFFFFFF;
	(pc) =	sbr.abs _section_cstart, $3  }
0xc0: {  	[dreg:$0x1] =	wrdreg $0xFFFFFFFF  }
0xc1: {  	_ =	task.clear_ibuf [dreg:s7], $0x2FFFF;
	_ =	strace $0x9FFFFFFF  }
0xc2: {  	(tm) =	ssettm $0x7FFFFFFF  }
0xc3: {  	_ =	shalt  }
tec
execute0_lowered:
.L_overlay_start_1:
0x0: {  	(tag) =	ssettag $0x1  }
0x1: {  	s1 =	rddreg [dreg:$0x0]  }
0x2: {  	s0 =	srdreg.scid;
	s3 =	rddreg [dreg:$0x1]  }
0x3: {  	s2 =	stileid.u32;
	s18 =	rddreg [dreg:$0x2]  }
0x4: {  	s14 =	simm.s32 $0x20;
	s15 =	simm.s32 $0x320;
	s16 =	simm.s32 $0xCE40  }
0x5: {  	s17 =	simm.s32 $0x370;
	s19 =	simm.s32 $0xE240;
	s20 =	simm.s32 $0x3C0  }
0x6: {  	s21 =	simm.s32 $0xF640;
	s22 =	simm.s32 $0x410;
	s23 =	simm.s32 $0x10A40  }
0x7: {  	s24 =	simm.s32 $0x460;
	s0 =	sand.u32 $0x1, s0;
	s2 =	sshll.u32 s2, $0x1  }
0x8: {  	s29 =	simm.s32 $0xA640;
	s4 =	sor.u32 s0, s2;
	s2 =	simm.s32 $0x0  }
0x9: {  	s30 =	simm.s32 $0x2D0;
	p0 =	por $0x0, $0x0;
	[smem:$0x7FF] =	sst s2  }
0xa: {  	s31 =	simm.s32 $0xBA40;
	_ =	strace $0x80000047;
	[dreg:$0x9] =	wrdreg s14  }
0xb: {  	s6 =	sadd.s32 $0x188800, s1;
	s28 =	sadd.s32 $0x1C00, s1;
	[dreg:$0xa] =	wrdreg s15  }
0xc: {  	s0 =	ssub.s32 $0x2, s0;
	s5 =	smul.u32 $0x64, s4;
	[dreg:$0xb] =	wrdreg s16  }
0xd: {  	s7 =	smul.u32 $0xC8, s4;
	s8 =	sshll.u32 s4, $0x8;
	[dreg:$0xc] =	wrdreg s17  }
0xe: {  	s9 =	sshll.u32 s4, $0x2;
	s10 =	smul.u32 $0x1900, s4;
	[dreg:$0xd] =	wrdreg s19  }
0xf: {  	s4 =	smul.u32 $0x3200, s4;
	s12 =	sshrl.u32 s0, $0x1;
	[dreg:$0xe] =	wrdreg s20  }
0x10: {  	s8 =	sadd.s32 s8, s1;
	s3 =	sadd.s32 s3, s9;
	[dreg:$0xf] =	wrdreg s21  }
0x11: {  	s0 =	ssub.s32 s0, s12;
	s12 =	simm.s32 $0x4240;
	[dreg:$0x10] =	wrdreg s22  }
0x12: {  	s14 =	simm.s32 $0x5640;
	s15 =	simm.s32 $0x190;
	[dreg:$0x11] =	wrdreg s23  }
0x13: {  	s16 =	simm.s32 $0x6A40;
	s21 =	simm.s32 $0x1E0;
	[dreg:$0x12] =	wrdreg s24  }
0x14: {  	s23 =	simm.s32 $0x7E40;
	s24 =	simm.s32 $0x230;
	s17 =	simm.s32 $0x13240  }
0x15: {  	s19 =	simm.s32 $0x500;
	s20 =	simm.s32 $0x14640;
	s22 =	simm.s32 $0x550  }
0x16: {  	s5 =	sadd.s32 s5, s1;
	s7 =	sadd.s32 s7, s1;
	[dreg:$0x3] =	wrdreg s3  }
0x17: {  	s25 =	sadd.s32 $0x35400, s8;
	s26 =	sadd.s32 s10, s1;
	[dreg:$0x15] =	wrdreg s17  }
0x18: {  	s4 =	sadd.s32 s4, s1;
	s0 =	smax.u32 s0, $0x1;
	[dreg:$0x16] =	wrdreg s19  }
0x19: {  	s3 =	simm.s32 $0x2;
	s8 =	simm.s32 $0x1A40;
	[dreg:$0x17] =	wrdreg s20  }
0x1a: {  	[dreg:$0x18] =	wrdreg s22;
	s19 =	simm.s32 $0x15A40;
	s20 =	simm.s32 $0x5A0  }
0x1b: {  	s22 =	simm.s32 $0x16E40;
	[dreg:$0x4] =	wrdreg s25;
	s9 =	sadd.s32 $0x32C00, s5  }
0x1c: {  	s10 =	sadd.s32 $0x37400, s26;
	s11 =	sadd.s32 $0x33A00, s7;
	s13 =	sadd.s32 $0x69400, s4  }
0x1d: {  	p1 =	sne.s32 s0, $0x1;
	s1 =	sadd.s32 $0xFFFFFFFF, s0;
	s0 =	rddreg [dreg:$0x3]  }
0x1e: {  	s4 =	simm.s32 $0x640;
	s5 =	simm.s32 $0x1;
	[dreg:$0x5] =	wrdreg s9  }
.Ltmp0:
0x1f: {  	s7 =	simm.s32 $0x50;
	[dreg:$0x6] =	wrdreg s10;
	(pc) =	sbr.rel @!p1 .LBB2_1-.Ltmp0, $4  }
0x20: {  	s25 =	simm.s32 $0x11E40;
	s26 =	simm.s32 $0x4B0;
	[dreg:$0x7] =	wrdreg s11  }
0x21: {  	[dreg:$0x8] =	wrdreg s13;
	s9 =	simm.s32 $0xA0;
	s10 =	simm.s32 $0x2E40  }
0x22: {  	s11 =	simm.s32 $0xF0;
	s13 =	simm.s32 $0x140;
	[dreg:$0x13] =	wrdreg s25  }
0x23: {  	[dreg:$0x14] =	wrdreg s26;
	s25 =	simm.s32 $0x9240;
	s26 =	simm.s32 $0x280  }
0x24: {  	[tilespmem:s2], [sflag:$0x2] =	stream.linear.gather [hbm4b:s0+s2], $0x20, $0x38;
	[tilespmem:$0x19640] =	vst v63  }
0x25: {  	_ =	swait.ge [sflag:s3], $0x20  }
0x26: {  	[sflag:s3] =	ssyncset.done $0x0  }
0x27: {  	s18 =	rddreg [dreg:$0x9];
	[sflag:s3] =	ssyncadd.s32 $0xFFFFFFE0  }
0x28: {  	[tilespmem:s4], [sflag:$0x1] =	stream.indirect.gather [hbm4b:s6+s18], $0x40, s2, s18, $0xb8;
	[tilespmem:$0x19640] =	vst v63  }
0x29: {  	_ =	swait.ge [sflag:s5], $0x800  }
0x2a: {  	[sflag:s5] =	ssyncset.done $0x0  }
0x2b: {  	s17 =	rddreg [dreg:$0x4];
	[sflag:s5] =	ssyncadd.s32 $0xFFFFF800  }
0x2c: {  	[hbm4b:s17+s2] =	stream.linear.scatter [tilespmem:s4], [sflag:$0x2], $0x800, $0x38;
	[tilespmem:$0x19640] =	vst v63  }
0x2d: {  	_ =	swait.ge [sflag:s3], $0x800  }
0x2e: {  	[sflag:s3] =	ssyncset.done $0x0  }
0x2f: {  	s18 =	rddreg [dreg:$0x5];
	[sflag:s3] =	ssyncadd.s32 $0xFFFFF800  }
0x30: {  	[tilespmem:s2], [sflag:$0x2] =	stream.linear.gather [hbm4b:s18+s2], $0x320, $0x38;
	[tilespmem:$0x19640] =	vst v63  }
0x31: {  	_ =	swait.ge [sflag:s3], $0x320  }
0x32: {  	[sflag:s3] =	ssyncset.done $0x0  }
0x33: {  	[sflag:s3] =	ssyncadd.s32 $0xFFFFFCE0  }
0x34: {  	[tilespmem:s4], [sflag:$0x1] =	stream.indirect.gather [hbm4b:s28+s7], $0x40, s2, s7, $0xb8;
	[tilespmem:$0x19640] =	vst v63  }
0x35: {  	_ = 	snop  }
0x36: {  	[tilespmem:s8], [sflag:$0x1] =	stream.indirect.gather [hbm4b:s28+s7], $0x40, s7, s7, $0xb8;
	[tilespmem:$0x19640] =	vst v63  }
0x37: {  	_ = 	snop  }
0x38: {  	[tilespmem:s10], [sflag:$0x1] =	stream.indirect.gather [hbm4b:s28+s7], $0x40, s9, s7, $0xb8;
	[tilespmem:$0x19640] =	vst v63  }
0x39: {  	_ = 	snop  }
0x3a: {  	[tilespmem:s12], [sflag:$0x1] =	stream.indirect.gather [hbm4b:s28+s7], $0x40, s11, s7, $0xb8;
	[tilespmem:$0x19640] =	vst v63  }
0x3b: {  	_ = 	snop  }
0x3c: {  	[tilespmem:s14], [sflag:$0x1] =	stream.indirect.gather [hbm4b:s28+s7], $0x40, s13, s7, $0xb8;
	[tilespmem:$0x19640] =	vst v63  }
0x3d: {  	_ = 	snop  }
0x3e: {  	[tilespmem:s16], [sflag:$0x1] =	stream.indirect.gather [hbm4b:s28+s7], $0x40, s15, s7, $0xb8;
	[tilespmem:$0x19640] =	vst v63  }
0x3f: {  	_ = 	snop  }
0x40: {  	[tilespmem:s23], [sflag:$0x1] =	stream.indirect.gather [hbm4b:s28+s7], $0x40, s21, s7, $0xb8;
	[tilespmem:$0x19640] =	vst v63  }
0x41: {  	_ = 	snop  }
0x42: {  	[tilespmem:s25], [sflag:$0x1] =	stream.indirect.gather [hbm4b:s28+s7], $0x40, s24, s7, $0xb8;
	[tilespmem:$0x19640] =	vst v63  }
0x43: {  	_ = 	snop  }
0x44: {  	[tilespmem:s29], [sflag:$0x1] =	stream.indirect.gather [hbm4b:s28+s7], $0x40, s26, s7, $0xb8;
	[tilespmem:$0x19640] =	vst v63  }
0x45: {  	_ = 	snop  }
0x46: {  	[tilespmem:s31], [sflag:$0x1] =	stream.indirect.gather [hbm4b:s28+s7], $0x40, s30, s7, $0xb8;
	[tilespmem:$0x19640] =	vst v63  }
0x47: {  	_ =	swait.ge [sflag:s5], $0x1400  }
0x48: {  	[sflag:s5] =	ssyncset.done $0x0  }
0x49: {  	[sflag:s5] =	ssyncadd.s32 $0xFFFFEC00  }
0x4a: {  	_ =	swait.ge [sflag:s5], $0x1400  }
0x4b: {  	[sflag:s5] =	ssyncset.done $0x0  }
0x4c: {  	[sflag:s5] =	ssyncadd.s32 $0xFFFFEC00  }
0x4d: {  	_ =	swait.ge [sflag:s5], $0x1400  }
0x4e: {  	[sflag:s5] =	ssyncset.done $0x0  }
0x4f: {  	[sflag:s5] =	ssyncadd.s32 $0xFFFFEC00  }
0x50: {  	_ =	swait.ge [sflag:s5], $0x1400  }
0x51: {  	[sflag:s5] =	ssyncset.done $0x0  }
0x52: {  	[sflag:s5] =	ssyncadd.s32 $0xFFFFEC00  }
0x53: {  	_ =	swait.ge [sflag:s5], $0x1400  }
0x54: {  	[sflag:s5] =	ssyncset.done $0x0  }
0x55: {  	[sflag:s5] =	ssyncadd.s32 $0xFFFFEC00  }
0x56: {  	_ =	swait.ge [sflag:s5], $0x1400  }
0x57: {  	[sflag:s5] =	ssyncset.done $0x0  }
0x58: {  	[sflag:s5] =	ssyncadd.s32 $0xFFFFEC00  }
0x59: {  	_ =	swait.ge [sflag:s5], $0x1400  }
0x5a: {  	[sflag:s5] =	ssyncset.done $0x0  }
0x5b: {  	[sflag:s5] =	ssyncadd.s32 $0xFFFFEC00  }
0x5c: {  	_ =	swait.ge [sflag:s5], $0x1400  }
0x5d: {  	[sflag:s5] =	ssyncset.done $0x0  }
0x5e: {  	[sflag:s5] =	ssyncadd.s32 $0xFFFFEC00  }
0x5f: {  	_ =	swait.ge [sflag:s5], $0x1400  }
0x60: {  	[sflag:s5] =	ssyncset.done $0x0  }
0x61: {  	[sflag:s5] =	ssyncadd.s32 $0xFFFFEC00  }
0x62: {  	_ =	swait.ge [sflag:s5], $0x1400  }
0x63: {  	[sflag:s5] =	ssyncset.done $0x0  }
0x64: {  	s17 =	rddreg [dreg:$0x6];
	[sflag:s5] =	ssyncadd.s32 $0xFFFFEC00  }
0x65: {  	[hbm4b:s17+s2] =	stream.linear.scatter [tilespmem:s4], [sflag:$0x2], $0xC800, $0x38;
	[tilespmem:$0x19640] =	vst v63  }
0x66: {  	_ =	swait.ge [sflag:s3], $0xC800  }
0x67: {  	[sflag:s3] =	ssyncset.done $0x0  }
0x68: {  	s18 =	rddreg [dreg:$0x7];
	[sflag:s3] =	ssyncadd.s32 $0xFFFF3800  }
0x69: {  	[tilespmem:s2], [sflag:$0x2] =	stream.linear.gather [hbm4b:s18+s2], $0x640, $0x38;
	[tilespmem:$0x19640] =	vst v63  }
0x6a: {  	_ =	swait.ge [sflag:s3], $0x640  }
0x6b: {  	[sflag:s3] =	ssyncset.done $0x0  }
0x6c: {  	[sflag:s3] =	ssyncadd.s32 $0xFFFFF9C0  }
0x6d: {  	[tilespmem:s4], [sflag:$0x1] =	stream.indirect.gather [hbm4b:s6+s7], $0x40, s2, s7, $0xb8;
	[tilespmem:$0x19640] =	vst v63  }
0x6e: {  	_ = 	snop  }
0x6f: {  	[tilespmem:s8], [sflag:$0x1] =	stream.indirect.gather [hbm4b:s6+s7], $0x40, s7, s7, $0xb8;
	[tilespmem:$0x19640] =	vst v63  }
0x70: {  	_ = 	snop  }
0x71: {  	[tilespmem:s10], [sflag:$0x1] =	stream.indirect.gather [hbm4b:s6+s7], $0x40, s9, s7, $0xb8;
	[tilespmem:$0x19640] =	vst v63  }
0x72: {  	_ = 	snop  }
0x73: {  	[tilespmem:s12], [sflag:$0x1] =	stream.indirect.gather [hbm4b:s6+s7], $0x40, s11, s7, $0xb8;
	[tilespmem:$0x19640] =	vst v63  }
0x74: {  	[dreg:$0x1b] =	wrdreg s1  }
0x75: {  	[tilespmem:s14], [sflag:$0x1] =	stream.indirect.gather [hbm4b:s6+s7], $0x40, s13, s7, $0xb8;
	[tilespmem:$0x19640] =	vst v63  }
0x76: {  	s17 =	rddreg [dreg:$0xd]  }
0x77: {  	[tilespmem:s16], [sflag:$0x1] =	stream.indirect.gather [hbm4b:s6+s7], $0x40, s15, s7, $0xb8;
	[tilespmem:$0x19640] =	vst v63  }
0x78: {  	s18 =	rddreg [dreg:$0xa]  }
0x79: {  	[tilespmem:s23], [sflag:$0x1] =	stream.indirect.gather [hbm4b:s6+s7], $0x40, s21, s7, $0xb8;
	[tilespmem:$0x19640] =	vst v63  }
0x7a: {  	s1 =	rddreg [dreg:$0xc]  }
0x7b: {  	[tilespmem:s25], [sflag:$0x1] =	stream.indirect.gather [hbm4b:s6+s7], $0x40, s24, s7, $0xb8;
	[tilespmem:$0x19640] =	vst v63  }
0x7c: {  	s0 =	rddreg [dreg:$0xe]  }
0x7d: {  	[tilespmem:s29], [sflag:$0x1] =	stream.indirect.gather [hbm4b:s6+s7], $0x40, s26, s7, $0xb8;
	[tilespmem:$0x19640] =	vst v63  }
0x7e: {  	[dreg:$0x19] =	wrdreg s17  }
0x7f: {  	[tilespmem:s31], [sflag:$0x1] =	stream.indirect.gather [hbm4b:s6+s7], $0x40, s30, s7, $0xb8;
	[tilespmem:$0x19640] =	vst v63  }
0x80: {  	s17 =	rddreg [dreg:$0xb]  }
0x81: {  	[tilespmem:s17], [sflag:$0x1] =	stream.indirect.gather [hbm4b:s6+s7], $0x40, s18, s7, $0xb8;
	[tilespmem:$0x19640] =	vst v63  }
0x82: {  	s18 =	rddreg [dreg:$0xf]  }
0x83: {  	s17 =	rddreg [dreg:$0x19]  }
0x84: {  	[tilespmem:s17], [sflag:$0x1] =	stream.indirect.gather [hbm4b:s6+s7], $0x40, s1, s7, $0xb8;
	[tilespmem:$0x19640] =	vst v63  }
0x85: {  	s17 =	rddreg [dreg:$0x11]  }
0x86: {  	s1 =	rddreg [dreg:$0x10]  }
0x87: {  	[tilespmem:s18], [sflag:$0x1] =	stream.indirect.gather [hbm4b:s6+s7], $0x40, s0, s7, $0xb8;
	[tilespmem:$0x19640] =	vst v63  }
0x88: {  	s18 =	rddreg [dreg:$0x13]  }
0x89: {  	s0 =	rddreg [dreg:$0x12]  }
0x8a: {  	[dreg:$0x1a] =	wrdreg s18  }
0x8b: {  	[tilespmem:s17], [sflag:$0x1] =	stream.indirect.gather [hbm4b:s6+s7], $0x40, s1, s7, $0xb8;
	[tilespmem:$0x19640] =	vst v63  }
0x8c: {  	s17 =	rddreg [dreg:$0x15]  }
0x8d: {  	s1 =	rddreg [dreg:$0x14]  }
0x8e: {  	s18 =	rddreg [dreg:$0x1a]  }
0x8f: {  	[tilespmem:s18], [sflag:$0x1] =	stream.indirect.gather [hbm4b:s6+s7], $0x40, s0, s7, $0xb8;
	[tilespmem:$0x19640] =	vst v63  }
0x90: {  	s18 =	rddreg [dreg:$0x17]  }
0x91: {  	[tilespmem:s17], [sflag:$0x1] =	stream.indirect.gather [hbm4b:s6+s7], $0x40, s1, s7, $0xb8;
	[tilespmem:$0x19640] =	vst v63  }
0x92: {  	s0 =	rddreg [dreg:$0x16]  }
0x93: {  	[tilespmem:s18], [sflag:$0x1] =	stream.indirect.gather [hbm4b:s6+s7], $0x40, s0, s7, $0xb8;
	[tilespmem:$0x19640] =	vst v63  }
0x94: {  	s17 =	rddreg [dreg:$0x18]  }
0x95: {  	[tilespmem:s19], [sflag:$0x1] =	stream.indirect.gather [hbm4b:s6+s7], $0x40, s17, s7, $0xb8;
	[tilespmem:$0x19640] =	vst v63  }
0x96: {  	_ = 	snop  }
0x97: {  	[tilespmem:s22], [sflag:$0x1] =	stream.indirect.gather [hbm4b:s6+s7], $0x40, s20, s7, $0xb8;
	[tilespmem:$0x19640] =	vst v63  }
0x98: {  	s18 =	simm.s32 $0x18240;
	s17 =	simm.s32 $0x5F0  }
0x99: {  	[tilespmem:s18], [sflag:$0x1] =	stream.indirect.gather [hbm4b:s6+s7], $0x40, s17, s7, $0xb8;
	[tilespmem:$0x19640] =	vst v63  }
0x9a: {  	_ =	swait.ge [sflag:s5], $0x1400  }
0x9b: {  	[sflag:s5] =	ssyncset.done $0x0  }
0x9c: {  	[sflag:s5] =	ssyncadd.s32 $0xFFFFEC00  }
0x9d: {  	_ =	swait.ge [sflag:s5], $0x1400  }
0x9e: {  	[sflag:s5] =	ssyncset.done $0x0  }
0x9f: {  	[sflag:s5] =	ssyncadd.s32 $0xFFFFEC00  }
0xa0: {  	_ =	swait.ge [sflag:s5], $0x1400  }
0xa1: {  	[sflag:s5] =	ssyncset.done $0x0  }
0xa2: {  	[sflag:s5] =	ssyncadd.s32 $0xFFFFEC00  }
0xa3: {  	_ =	swait.ge [sflag:s5], $0x1400  }
0xa4: {  	[sflag:s5] =	ssyncset.done $0x0  }
0xa5: {  	[sflag:s5] =	ssyncadd.s32 $0xFFFFEC00  }
0xa6: {  	_ =	swait.ge [sflag:s5], $0x1400  }
0xa7: {  	[sflag:s5] =	ssyncset.done $0x0  }
0xa8: {  	[sflag:s5] =	ssyncadd.s32 $0xFFFFEC00  }
0xa9: {  	_ =	swait.ge [sflag:s5], $0x1400  }
0xaa: {  	[sflag:s5] =	ssyncset.done $0x0  }
0xab: {  	[sflag:s5] =	ssyncadd.s32 $0xFFFFEC00  }
0xac: {  	_ =	swait.ge [sflag:s5], $0x1400  }
0xad: {  	[sflag:s5] =	ssyncset.done $0x0  }
0xae: {  	[sflag:s5] =	ssyncadd.s32 $0xFFFFEC00  }
0xaf: {  	_ =	swait.ge [sflag:s5], $0x1400  }
0xb0: {  	[sflag:s5] =	ssyncset.done $0x0  }
0xb1: {  	[sflag:s5] =	ssyncadd.s32 $0xFFFFEC00  }
0xb2: {  	_ =	swait.ge [sflag:s5], $0x1400  }
0xb3: {  	[sflag:s5] =	ssyncset.done $0x0  }
0xb4: {  	[sflag:s5] =	ssyncadd.s32 $0xFFFFEC00  }
0xb5: {  	_ =	swait.ge [sflag:s5], $0x1400  }
0xb6: {  	[sflag:s5] =	ssyncset.done $0x0  }
0xb7: {  	[sflag:s5] =	ssyncadd.s32 $0xFFFFEC00  }
0xb8: {  	_ =	swait.ge [sflag:s5], $0x1400  }
0xb9: {  	[sflag:s5] =	ssyncset.done $0x0  }
0xba: {  	[sflag:s5] =	ssyncadd.s32 $0xFFFFEC00  }
0xbb: {  	_ =	swait.ge [sflag:s5], $0x1400  }
0xbc: {  	[sflag:s5] =	ssyncset.done $0x0  }
0xbd: {  	[sflag:s5] =	ssyncadd.s32 $0xFFFFEC00  }
0xbe: {  	_ =	swait.ge [sflag:s5], $0x1400  }
0xbf: {  	[sflag:s5] =	ssyncset.done $0x0  }
0xc0: {  	[sflag:s5] =	ssyncadd.s32 $0xFFFFEC00  }
0xc1: {  	_ =	swait.ge [sflag:s5], $0x1400  }
0xc2: {  	[sflag:s5] =	ssyncset.done $0x0  }
0xc3: {  	[sflag:s5] =	ssyncadd.s32 $0xFFFFEC00  }
0xc4: {  	_ =	swait.ge [sflag:s5], $0x1400  }
0xc5: {  	[sflag:s5] =	ssyncset.done $0x0  }
0xc6: {  	[sflag:s5] =	ssyncadd.s32 $0xFFFFEC00  }
0xc7: {  	_ =	swait.ge [sflag:s5], $0x1400  }
0xc8: {  	[sflag:s5] =	ssyncset.done $0x0  }
0xc9: {  	[sflag:s5] =	ssyncadd.s32 $0xFFFFEC00  }
0xca: {  	_ =	swait.ge [sflag:s5], $0x1400  }
0xcb: {  	[sflag:s5] =	ssyncset.done $0x0  }
0xcc: {  	[sflag:s5] =	ssyncadd.s32 $0xFFFFEC00  }
0xcd: {  	_ =	swait.ge [sflag:s5], $0x1400  }
0xce: {  	[sflag:s5] =	ssyncset.done $0x0  }
0xcf: {  	[sflag:s5] =	ssyncadd.s32 $0xFFFFEC00  }
0xd0: {  	_ =	swait.ge [sflag:s5], $0x1400  }
0xd1: {  	[sflag:s5] =	ssyncset.done $0x0  }
0xd2: {  	[sflag:s5] =	ssyncadd.s32 $0xFFFFEC00  }
0xd3: {  	_ =	swait.ge [sflag:s5], $0x1400  }
0xd4: {  	s18 =	rddreg [dreg:$0x1b]  }
0xd5: {  	p1 =	sne.s32 s18, $0x1  }
.Ltmp1:
0xd6: {  	[sflag:s5] =	ssyncset.done $0x0;
	(pc) =	sbr.rel @!p1 .LBB2_3-.Ltmp1, $4  }
0xd7: {  	s17 =	rddreg [dreg:$0x8];
	[sflag:s5] =	ssyncadd.s32 $0xFFFFEC00  }
0xd8: {  	[hbm4b:s17+s2] =	stream.linear.scatter [tilespmem:s4], [sflag:$0x2], $0x19000, $0x38;
	[tilespmem:$0x19640] =	vst v63  }
0xd9: {  	p0 =	por $0x1, $0x1;
	_ =	swait.ge [sflag:s3], $0x19000  }
0xda: {  	s1 =	sadd.s32 $0xFFFFFFFF, s18;
	s0 =	rddreg [dreg:$0x3];
	[sflag:s3] =	ssyncset.done $0x0  }
.LBB2_4:
0xdb: {  	[sflag:s3] =	ssyncadd.s32 $0xFFFE7000  }
0xdc: {  	[tilespmem:s2], [sflag:$0x2] =	stream.linear.gather [hbm4b:s0+s2], $0x20, $0x38;
	[tilespmem:$0x19640] =	vst v63  }
0xdd: {  	_ =	swait.ge [sflag:s3], $0x20  }
0xde: {  	[sflag:s3] =	ssyncset.done $0x0  }
0xdf: {  	s18 =	rddreg [dreg:$0x9];
	[sflag:s3] =	ssyncadd.s32 $0xFFFFFFE0  }
0xe0: {  	[tilespmem:s4], [sflag:$0x1] =	stream.indirect.gather [hbm4b:s6+s18], $0x40, s2, s18, $0xb8;
	[tilespmem:$0x19640] =	vst v63  }
0xe1: {  	_ =	swait.ge [sflag:s5], $0x800  }
0xe2: {  	[sflag:s5] =	ssyncset.done $0x0  }
0xe3: {  	s19 =	rddreg [dreg:$0x4];
	[sflag:s5] =	ssyncadd.s32 $0xFFFFF800  }
0xe4: {  	[hbm4b:s19+s2] =	stream.linear.scatter [tilespmem:s4], [sflag:$0x2], $0x800, $0x38;
	[tilespmem:$0x19640] =	vst v63  }
0xe5: {  	_ =	swait.ge [sflag:s3], $0x800  }
0xe6: {  	[sflag:s3] =	ssyncset.done $0x0  }
0xe7: {  	s20 =	rddreg [dreg:$0x5];
	[sflag:s3] =	ssyncadd.s32 $0xFFFFF800  }
0xe8: {  	[tilespmem:s2], [sflag:$0x2] =	stream.linear.gather [hbm4b:s20+s2], $0x320, $0x38;
	[tilespmem:$0x19640] =	vst v63  }
0xe9: {  	_ =	swait.ge [sflag:s3], $0x320  }
0xea: {  	[sflag:s3] =	ssyncset.done $0x0  }
0xeb: {  	[sflag:s3] =	ssyncadd.s32 $0xFFFFFCE0  }
0xec: {  	[tilespmem:s4], [sflag:$0x1] =	stream.indirect.gather [hbm4b:s28+s7], $0x40, s2, s7, $0xb8;
	[tilespmem:$0x19640] =	vst v63  }
0xed: {  	_ = 	snop  }
0xee: {  	[tilespmem:s8], [sflag:$0x1] =	stream.indirect.gather [hbm4b:s28+s7], $0x40, s7, s7, $0xb8;
	[tilespmem:$0x19640] =	vst v63  }
0xef: {  	_ = 	snop  }
0xf0: {  	[tilespmem:s10], [sflag:$0x1] =	stream.indirect.gather [hbm4b:s28+s7], $0x40, s9, s7, $0xb8;
	[tilespmem:$0x19640] =	vst v63  }
0xf1: {  	_ = 	snop  }
0xf2: {  	[tilespmem:s12], [sflag:$0x1] =	stream.indirect.gather [hbm4b:s28+s7], $0x40, s11, s7, $0xb8;
	[tilespmem:$0x19640] =	vst v63  }
0xf3: {  	_ = 	snop  }
0xf4: {  	[tilespmem:s14], [sflag:$0x1] =	stream.indirect.gather [hbm4b:s28+s7], $0x40, s13, s7, $0xb8;
	[tilespmem:$0x19640] =	vst v63  }
0xf5: {  	_ = 	snop  }
0xf6: {  	[tilespmem:s16], [sflag:$0x1] =	stream.indirect.gather [hbm4b:s28+s7], $0x40, s15, s7, $0xb8;
	[tilespmem:$0x19640] =	vst v63  }
0xf7: {  	_ = 	snop  }
0xf8: {  	[tilespmem:s23], [sflag:$0x1] =	stream.indirect.gather [hbm4b:s28+s7], $0x40, s21, s7, $0xb8;
	[tilespmem:$0x19640] =	vst v63  }
0xf9: {  	_ = 	snop  }
0xfa: {  	[tilespmem:s25], [sflag:$0x1] =	stream.indirect.gather [hbm4b:s28+s7], $0x40, s24, s7, $0xb8;
	[tilespmem:$0x19640] =	vst v63  }
0xfb: {  	_ = 	snop  }
0xfc: {  	[tilespmem:s29], [sflag:$0x1] =	stream.indirect.gather [hbm4b:s28+s7], $0x40, s26, s7, $0xb8;
	[tilespmem:$0x19640] =	vst v63  }
0xfd: {  	_ = 	snop  }
0xfe: {  	[tilespmem:s31], [sflag:$0x1] =	stream.indirect.gather [hbm4b:s28+s7], $0x40, s30, s7, $0xb8;
	[tilespmem:$0x19640] =	vst v63  }
0xff: {  	_ =	swait.ge [sflag:s5], $0x1400  }
0x100: {  	[sflag:s5] =	ssyncset.done $0x0  }
0x101: {  	[sflag:s5] =	ssyncadd.s32 $0xFFFFEC00  }
0x102: {  	_ =	swait.ge [sflag:s5], $0x1400  }
0x103: {  	[sflag:s5] =	ssyncset.done $0x0  }
0x104: {  	[sflag:s5] =	ssyncadd.s32 $0xFFFFEC00  }
0x105: {  	_ =	swait.ge [sflag:s5], $0x1400  }
0x106: {  	[sflag:s5] =	ssyncset.done $0x0  }
0x107: {  	[sflag:s5] =	ssyncadd.s32 $0xFFFFEC00  }
0x108: {  	_ =	swait.ge [sflag:s5], $0x1400  }
0x109: {  	[sflag:s5] =	ssyncset.done $0x0  }
0x10a: {  	[sflag:s5] =	ssyncadd.s32 $0xFFFFEC00  }
0x10b: {  	_ =	swait.ge [sflag:s5], $0x1400  }
0x10c: {  	[sflag:s5] =	ssyncset.done $0x0  }
0x10d: {  	[sflag:s5] =	ssyncadd.s32 $0xFFFFEC00  }
0x10e: {  	_ =	swait.ge [sflag:s5], $0x1400  }
0x10f: {  	[sflag:s5] =	ssyncset.done $0x0  }
0x110: {  	[sflag:s5] =	ssyncadd.s32 $0xFFFFEC00  }
0x111: {  	_ =	swait.ge [sflag:s5], $0x1400  }
0x112: {  	[sflag:s5] =	ssyncset.done $0x0  }
0x113: {  	[sflag:s5] =	ssyncadd.s32 $0xFFFFEC00  }
0x114: {  	_ =	swait.ge [sflag:s5], $0x1400  }
0x115: {  	[sflag:s5] =	ssyncset.done $0x0  }
0x116: {  	[sflag:s5] =	ssyncadd.s32 $0xFFFFEC00  }
0x117: {  	_ =	swait.ge [sflag:s5], $0x1400  }
0x118: {  	[sflag:s5] =	ssyncset.done $0x0  }
0x119: {  	[sflag:s5] =	ssyncadd.s32 $0xFFFFEC00  }
0x11a: {  	_ =	swait.ge [sflag:s5], $0x1400  }
0x11b: {  	[sflag:s5] =	ssyncset.done $0x0  }
0x11c: {  	s22 =	rddreg [dreg:$0x6];
	[sflag:s5] =	ssyncadd.s32 $0xFFFFEC00  }
0x11d: {  	[hbm4b:s22+s2] =	stream.linear.scatter [tilespmem:s4], [sflag:$0x2], $0xC800, $0x38;
	[tilespmem:$0x19640] =	vst v63  }
0x11e: {  	_ =	swait.ge [sflag:s3], $0xC800  }
0x11f: {  	[sflag:s3] =	ssyncset.done $0x0  }
0x120: {  	s17 =	rddreg [dreg:$0x7];
	[sflag:s3] =	ssyncadd.s32 $0xFFFF3800  }
0x121: {  	[tilespmem:s2], [sflag:$0x2] =	stream.linear.gather [hbm4b:s17+s2], $0x640, $0x38;
	[tilespmem:$0x19640] =	vst v63  }
0x122: {  	_ =	swait.ge [sflag:s3], $0x640  }
0x123: {  	[sflag:s3] =	ssyncset.done $0x0  }
0x124: {  	[sflag:s3] =	ssyncadd.s32 $0xFFFFF9C0  }
0x125: {  	[tilespmem:s4], [sflag:$0x1] =	stream.indirect.gather [hbm4b:s6+s7], $0x40, s2, s7, $0xb8;
	[tilespmem:$0x19640] =	vst v63  }
0x126: {  	_ = 	snop  }
0x127: {  	[tilespmem:s8], [sflag:$0x1] =	stream.indirect.gather [hbm4b:s6+s7], $0x40, s7, s7, $0xb8;
	[tilespmem:$0x19640] =	vst v63  }
0x128: {  	_ = 	snop  }
0x129: {  	[tilespmem:s10], [sflag:$0x1] =	stream.indirect.gather [hbm4b:s6+s7], $0x40, s9, s7, $0xb8;
	[tilespmem:$0x19640] =	vst v63  }
0x12a: {  	s0 =	rddreg [dreg:$0x17]  }
0x12b: {  	[tilespmem:s12], [sflag:$0x1] =	stream.indirect.gather [hbm4b:s6+s7], $0x40, s11, s7, $0xb8;
	[tilespmem:$0x19640] =	vst v63  }
0x12c: {  	s17 =	rddreg [dreg:$0x15]  }
0x12d: {  	[tilespmem:s14], [sflag:$0x1] =	stream.indirect.gather [hbm4b:s6+s7], $0x40, s13, s7, $0xb8;
	[tilespmem:$0x19640] =	vst v63  }
0x12e: {  	s18 =	rddreg [dreg:$0x13]  }
0x12f: {  	[tilespmem:s16], [sflag:$0x1] =	stream.indirect.gather [hbm4b:s6+s7], $0x40, s15, s7, $0xb8;
	[tilespmem:$0x19640] =	vst v63  }
0x130: {  	s19 =	rddreg [dreg:$0x11]  }
0x131: {  	[tilespmem:s23], [sflag:$0x1] =	stream.indirect.gather [hbm4b:s6+s7], $0x40, s21, s7, $0xb8;
	[tilespmem:$0x19640] =	vst v63  }
0x132: {  	s20 =	rddreg [dreg:$0xf]  }
0x133: {  	[tilespmem:s25], [sflag:$0x1] =	stream.indirect.gather [hbm4b:s6+s7], $0x40, s24, s7, $0xb8;
	[tilespmem:$0x19640] =	vst v63  }
0x134: {  	s22 =	rddreg [dreg:$0xd]  }
0x135: {  	[tilespmem:s29], [sflag:$0x1] =	stream.indirect.gather [hbm4b:s6+s7], $0x40, s26, s7, $0xb8;
	[tilespmem:$0x19640] =	vst v63  }
0x136: {  	s8 =	rddreg [dreg:$0xb]  }
0x137: {  	[tilespmem:s31], [sflag:$0x1] =	stream.indirect.gather [hbm4b:s6+s7], $0x40, s30, s7, $0xb8;
	[tilespmem:$0x19640] =	vst v63  }
0x138: {  	s9 =	rddreg [dreg:$0xa]  }
0x139: {  	[tilespmem:s8], [sflag:$0x1] =	stream.indirect.gather [hbm4b:s6+s7], $0x40, s9, s7, $0xb8;
	[tilespmem:$0x19640] =	vst v63  }
0x13a: {  	s10 =	rddreg [dreg:$0xc]  }
0x13b: {  	[tilespmem:s22], [sflag:$0x1] =	stream.indirect.gather [hbm4b:s6+s7], $0x40, s10, s7, $0xb8;
	[tilespmem:$0x19640] =	vst v63  }
0x13c: {  	s8 =	rddreg [dreg:$0xe]  }
0x13d: {  	[tilespmem:s20], [sflag:$0x1] =	stream.indirect.gather [hbm4b:s6+s7], $0x40, s8, s7, $0xb8;
	[tilespmem:$0x19640] =	vst v63  }
0x13e: {  	s9 =	rddreg [dreg:$0x10]  }
0x13f: {  	[tilespmem:s19], [sflag:$0x1] =	stream.indirect.gather [hbm4b:s6+s7], $0x40, s9, s7, $0xb8;
	[tilespmem:$0x19640] =	vst v63  }
0x140: {  	s8 =	rddreg [dreg:$0x12]  }
0x141: {  	[tilespmem:s18], [sflag:$0x1] =	stream.indirect.gather [hbm4b:s6+s7], $0x40, s8, s7, $0xb8;
	[tilespmem:$0x19640] =	vst v63  }
0x142: {  	s9 =	rddreg [dreg:$0x14]  }
0x143: {  	[tilespmem:s17], [sflag:$0x1] =	stream.indirect.gather [hbm4b:s6+s7], $0x40, s9, s7, $0xb8;
	[tilespmem:$0x19640] =	vst v63  }
0x144: {  	s8 =	rddreg [dreg:$0x16]  }
0x145: {  	[tilespmem:s0], [sflag:$0x1] =	stream.indirect.gather [hbm4b:s6+s7], $0x40, s8, s7, $0xb8;
	[tilespmem:$0x19640] =	vst v63  }
0x146: {  	s19 =	simm.s32 $0x15A40;
	s18 =	rddreg [dreg:$0x18]  }
0x147: {  	[tilespmem:s19], [sflag:$0x1] =	stream.indirect.gather [hbm4b:s6+s7], $0x40, s18, s7, $0xb8;
	[tilespmem:$0x19640] =	vst v63  }
0x148: {  	s22 =	simm.s32 $0x16E40;
	s20 =	simm.s32 $0x5A0  }
0x149: {  	[tilespmem:s22], [sflag:$0x1] =	stream.indirect.gather [hbm4b:s6+s7], $0x40, s20, s7, $0xb8;
	[tilespmem:$0x19640] =	vst v63  }
0x14a: {  	s17 =	simm.s32 $0x5F0;
	s18 =	simm.s32 $0x18240  }
0x14b: {  	[tilespmem:s18], [sflag:$0x1] =	stream.indirect.gather [hbm4b:s6+s7], $0x40, s17, s7, $0xb8;
	[tilespmem:$0x19640] =	vst v63  }
0x14c: {  	_ =	swait.ge [sflag:s5], $0x1400  }
0x14d: {  	[sflag:s5] =	ssyncset.done $0x0  }
0x14e: {  	[sflag:s5] =	ssyncadd.s32 $0xFFFFEC00  }
0x14f: {  	_ =	swait.ge [sflag:s5], $0x1400  }
0x150: {  	[sflag:s5] =	ssyncset.done $0x0  }
0x151: {  	[sflag:s5] =	ssyncadd.s32 $0xFFFFEC00  }
0x152: {  	_ =	swait.ge [sflag:s5], $0x1400  }
0x153: {  	[sflag:s5] =	ssyncset.done $0x0  }
0x154: {  	[sflag:s5] =	ssyncadd.s32 $0xFFFFEC00  }
0x155: {  	_ =	swait.ge [sflag:s5], $0x1400  }
0x156: {  	[sflag:s5] =	ssyncset.done $0x0  }
0x157: {  	[sflag:s5] =	ssyncadd.s32 $0xFFFFEC00  }
0x158: {  	_ =	swait.ge [sflag:s5], $0x1400  }
0x159: {  	[sflag:s5] =	ssyncset.done $0x0  }
0x15a: {  	[sflag:s5] =	ssyncadd.s32 $0xFFFFEC00  }
0x15b: {  	_ =	swait.ge [sflag:s5], $0x1400  }
0x15c: {  	[sflag:s5] =	ssyncset.done $0x0  }
0x15d: {  	[sflag:s5] =	ssyncadd.s32 $0xFFFFEC00  }
0x15e: {  	_ =	swait.ge [sflag:s5], $0x1400  }
0x15f: {  	[sflag:s5] =	ssyncset.done $0x0  }
0x160: {  	[sflag:s5] =	ssyncadd.s32 $0xFFFFEC00  }
0x161: {  	_ =	swait.ge [sflag:s5], $0x1400  }
0x162: {  	[sflag:s5] =	ssyncset.done $0x0  }
0x163: {  	[sflag:s5] =	ssyncadd.s32 $0xFFFFEC00  }
0x164: {  	_ =	swait.ge [sflag:s5], $0x1400  }
0x165: {  	[sflag:s5] =	ssyncset.done $0x0  }
0x166: {  	[sflag:s5] =	ssyncadd.s32 $0xFFFFEC00  }
0x167: {  	_ =	swait.ge [sflag:s5], $0x1400  }
0x168: {  	[sflag:s5] =	ssyncset.done $0x0  }
0x169: {  	[sflag:s5] =	ssyncadd.s32 $0xFFFFEC00  }
0x16a: {  	_ =	swait.ge [sflag:s5], $0x1400  }
0x16b: {  	[sflag:s5] =	ssyncset.done $0x0  }
0x16c: {  	[sflag:s5] =	ssyncadd.s32 $0xFFFFEC00  }
0x16d: {  	_ =	swait.ge [sflag:s5], $0x1400  }
0x16e: {  	[sflag:s5] =	ssyncset.done $0x0  }
0x16f: {  	[sflag:s5] =	ssyncadd.s32 $0xFFFFEC00  }
0x170: {  	_ =	swait.ge [sflag:s5], $0x1400  }
0x171: {  	[sflag:s5] =	ssyncset.done $0x0  }
0x172: {  	[sflag:s5] =	ssyncadd.s32 $0xFFFFEC00  }
0x173: {  	_ =	swait.ge [sflag:s5], $0x1400  }
0x174: {  	[sflag:s5] =	ssyncset.done $0x0  }
0x175: {  	[sflag:s5] =	ssyncadd.s32 $0xFFFFEC00  }
0x176: {  	_ =	swait.ge [sflag:s5], $0x1400  }
0x177: {  	[sflag:s5] =	ssyncset.done $0x0  }
0x178: {  	[sflag:s5] =	ssyncadd.s32 $0xFFFFEC00  }
0x179: {  	_ =	swait.ge [sflag:s5], $0x1400  }
0x17a: {  	[sflag:s5] =	ssyncset.done $0x0  }
0x17b: {  	[sflag:s5] =	ssyncadd.s32 $0xFFFFEC00  }
0x17c: {  	_ =	swait.ge [sflag:s5], $0x1400  }
0x17d: {  	[sflag:s5] =	ssyncset.done $0x0  }
0x17e: {  	[sflag:s5] =	ssyncadd.s32 $0xFFFFEC00  }
0x17f: {  	_ =	swait.ge [sflag:s5], $0x1400  }
0x180: {  	[sflag:s5] =	ssyncset.done $0x0  }
0x181: {  	[sflag:s5] =	ssyncadd.s32 $0xFFFFEC00  }
0x182: {  	_ =	swait.ge [sflag:s5], $0x1400  }
0x183: {  	[sflag:s5] =	ssyncset.done $0x0  }
0x184: {  	[sflag:s5] =	ssyncadd.s32 $0xFFFFEC00  }
0x185: {  	p1 =	sne.s32 s1, $0x1;
	_ =	swait.ge [sflag:s5], $0x1400  }
.Ltmp2:
0x186: {  	[sflag:s5] =	ssyncset.done $0x0;
	(pc) =	sbr.rel @p1 .LBB2_4-.Ltmp2, $4  }
0x187: {  	s1 =	sadd.s32 $0xFFFFFFFF, s1;
	s18 =	rddreg [dreg:$0x8];
	[sflag:s5] =	ssyncadd.s32 $0xFFFFEC00  }
0x188: {  	[hbm4b:s18+s2] =	stream.linear.scatter [tilespmem:s4], [sflag:$0x2], $0x19000, $0x38;
	[tilespmem:$0x19640] =	vst v63  }
0x189: {  	s10 =	simm.s32 $0x2E40;
	s9 =	simm.s32 $0xA0;
	_ =	swait.ge [sflag:s3], $0x19000  }
0x18a: {  	s8 =	simm.s32 $0x1A40;
	s0 =	rddreg [dreg:$0x3];
	[sflag:s3] =	ssyncset.done $0x0  }
0x18b: {  	s17 =	simm.s32 $0x5F0;
	s18 =	rddreg [dreg:$0x2]  }
.LBB2_6:
0x18c: {  	[sflag:s3] =	ssyncadd.s32 @p0 $0xFFFE7000  }
0x18d: {  	[tilespmem:s2], [sflag:$0x2] =	stream.linear.gather [hbm4b:s0+s2], $0x20, $0x38;
	[tilespmem:$0x19640] =	vst v63  }
0x18e: {  	_ =	swait.ge [sflag:s3], $0x20  }
0x18f: {  	[sflag:s3] =	ssyncset.done $0x0  }
0x190: {  	s1 =	rddreg [dreg:$0x9];
	[sflag:s3] =	ssyncadd.s32 $0xFFFFFFE0  }
0x191: {  	[tilespmem:s4], [sflag:$0x1] =	stream.indirect.gather [hbm4b:s6+s1], $0x40, s2, s1, $0xb8;
	[tilespmem:$0x19640] =	vst v63  }
0x192: {  	_ =	swait.ge [sflag:s5], $0x800  }
0x193: {  	[sflag:s5] =	ssyncset.done $0x0  }
0x194: {  	s1 =	rddreg [dreg:$0x4];
	[sflag:s5] =	ssyncadd.s32 $0xFFFFF800  }
0x195: {  	[hbm4b:s1+s2] =	stream.linear.scatter [tilespmem:s4], [sflag:$0x2], $0x800, $0x38;
	[tilespmem:$0x19640] =	vst v63  }
0x196: {  	_ =	swait.ge [sflag:s3], $0x800  }
0x197: {  	[sflag:s3] =	ssyncset.done $0x0  }
0x198: {  	s1 =	rddreg [dreg:$0x5];
	[sflag:s3] =	ssyncadd.s32 $0xFFFFF800  }
0x199: {  	[tilespmem:s2], [sflag:$0x2] =	stream.linear.gather [hbm4b:s1+s2], $0x320, $0x38;
	[tilespmem:$0x19640] =	vst v63  }
0x19a: {  	_ =	swait.ge [sflag:s3], $0x320  }
0x19b: {  	[sflag:s3] =	ssyncset.done $0x0  }
0x19c: {  	[sflag:s3] =	ssyncadd.s32 $0xFFFFFCE0  }
0x19d: {  	[tilespmem:s4], [sflag:$0x1] =	stream.indirect.gather [hbm4b:s28+s7], $0x40, s2, s7, $0xb8;
	[tilespmem:$0x19640] =	vst v63  }
0x19e: {  	_ = 	snop  }
0x19f: {  	[tilespmem:s8], [sflag:$0x1] =	stream.indirect.gather [hbm4b:s28+s7], $0x40, s7, s7, $0xb8;
	[tilespmem:$0x19640] =	vst v63  }
0x1a0: {  	_ = 	snop  }
0x1a1: {  	[tilespmem:s10], [sflag:$0x1] =	stream.indirect.gather [hbm4b:s28+s7], $0x40, s9, s7, $0xb8;
	[tilespmem:$0x19640] =	vst v63  }
0x1a2: {  	_ = 	snop  }
0x1a3: {  	[tilespmem:s12], [sflag:$0x1] =	stream.indirect.gather [hbm4b:s28+s7], $0x40, s11, s7, $0xb8;
	[tilespmem:$0x19640] =	vst v63  }
0x1a4: {  	_ = 	snop  }
0x1a5: {  	[tilespmem:s14], [sflag:$0x1] =	stream.indirect.gather [hbm4b:s28+s7], $0x40, s13, s7, $0xb8;
	[tilespmem:$0x19640] =	vst v63  }
0x1a6: {  	_ = 	snop  }
0x1a7: {  	[tilespmem:s16], [sflag:$0x1] =	stream.indirect.gather [hbm4b:s28+s7], $0x40, s15, s7, $0xb8;
	[tilespmem:$0x19640] =	vst v63  }
0x1a8: {  	_ = 	snop  }
0x1a9: {  	[tilespmem:s23], [sflag:$0x1] =	stream.indirect.gather [hbm4b:s28+s7], $0x40, s21, s7, $0xb8;
	[tilespmem:$0x19640] =	vst v63  }
0x1aa: {  	_ = 	snop  }
0x1ab: {  	[tilespmem:s25], [sflag:$0x1] =	stream.indirect.gather [hbm4b:s28+s7], $0x40, s24, s7, $0xb8;
	[tilespmem:$0x19640] =	vst v63  }
0x1ac: {  	_ = 	snop  }
0x1ad: {  	[tilespmem:s29], [sflag:$0x1] =	stream.indirect.gather [hbm4b:s28+s7], $0x40, s26, s7, $0xb8;
	[tilespmem:$0x19640] =	vst v63  }
0x1ae: {  	_ = 	snop  }
0x1af: {  	[tilespmem:s31], [sflag:$0x1] =	stream.indirect.gather [hbm4b:s28+s7], $0x40, s30, s7, $0xb8;
	[tilespmem:$0x19640] =	vst v63  }
0x1b0: {  	_ =	swait.ge [sflag:s5], $0x1400  }
0x1b1: {  	[sflag:s5] =	ssyncset.done $0x0  }
0x1b2: {  	[sflag:s5] =	ssyncadd.s32 $0xFFFFEC00  }
0x1b3: {  	_ =	swait.ge [sflag:s5], $0x1400  }
0x1b4: {  	[sflag:s5] =	ssyncset.done $0x0  }
0x1b5: {  	[sflag:s5] =	ssyncadd.s32 $0xFFFFEC00  }
0x1b6: {  	_ =	swait.ge [sflag:s5], $0x1400  }
0x1b7: {  	[sflag:s5] =	ssyncset.done $0x0  }
0x1b8: {  	[sflag:s5] =	ssyncadd.s32 $0xFFFFEC00  }
0x1b9: {  	_ =	swait.ge [sflag:s5], $0x1400  }
0x1ba: {  	[sflag:s5] =	ssyncset.done $0x0  }
0x1bb: {  	[sflag:s5] =	ssyncadd.s32 $0xFFFFEC00  }
0x1bc: {  	_ =	swait.ge [sflag:s5], $0x1400  }
0x1bd: {  	[sflag:s5] =	ssyncset.done $0x0  }
0x1be: {  	[sflag:s5] =	ssyncadd.s32 $0xFFFFEC00  }
0x1bf: {  	_ =	swait.ge [sflag:s5], $0x1400  }
0x1c0: {  	[sflag:s5] =	ssyncset.done $0x0  }
0x1c1: {  	[sflag:s5] =	ssyncadd.s32 $0xFFFFEC00  }
0x1c2: {  	_ =	swait.ge [sflag:s5], $0x1400  }
0x1c3: {  	[sflag:s5] =	ssyncset.done $0x0  }
0x1c4: {  	[sflag:s5] =	ssyncadd.s32 $0xFFFFEC00  }
0x1c5: {  	_ =	swait.ge [sflag:s5], $0x1400  }
0x1c6: {  	[sflag:s5] =	ssyncset.done $0x0  }
0x1c7: {  	[sflag:s5] =	ssyncadd.s32 $0xFFFFEC00  }
0x1c8: {  	_ =	swait.ge [sflag:s5], $0x1400  }
0x1c9: {  	[sflag:s5] =	ssyncset.done $0x0  }
0x1ca: {  	[sflag:s5] =	ssyncadd.s32 $0xFFFFEC00  }
0x1cb: {  	_ =	swait.ge [sflag:s5], $0x1400  }
0x1cc: {  	[sflag:s5] =	ssyncset.done $0x0  }
0x1cd: {  	s28 =	rddreg [dreg:$0x6];
	[sflag:s5] =	ssyncadd.s32 $0xFFFFEC00  }
0x1ce: {  	[hbm4b:s28+s2] =	stream.linear.scatter [tilespmem:s4], [sflag:$0x2], $0xC800, $0x38;
	[tilespmem:$0x19640] =	vst v63  }
0x1cf: {  	_ =	swait.ge [sflag:s3], $0xC800  }
0x1d0: {  	[sflag:s3] =	ssyncset.done $0x0  }
0x1d1: {  	s1 =	rddreg [dreg:$0x7];
	[sflag:s3] =	ssyncadd.s32 $0xFFFF3800  }
0x1d2: {  	[tilespmem:s2], [sflag:$0x2] =	stream.linear.gather [hbm4b:s1+s2], $0x640, $0x38;
	[tilespmem:$0x19640] =	vst v63  }
0x1d3: {  	_ =	swait.ge [sflag:s3], $0x640  }
0x1d4: {  	[sflag:s3] =	ssyncset.done $0x0  }
0x1d5: {  	[sflag:s3] =	ssyncadd.s32 $0xFFFFF9C0  }
0x1d6: {  	[tilespmem:s4], [sflag:$0x1] =	stream.indirect.gather [hbm4b:s6+s7], $0x40, s2, s7, $0xb8;
	[tilespmem:$0x19640] =	vst v63  }
0x1d7: {  	_ = 	snop  }
0x1d8: {  	[tilespmem:s8], [sflag:$0x1] =	stream.indirect.gather [hbm4b:s6+s7], $0x40, s7, s7, $0xb8;
	[tilespmem:$0x19640] =	vst v63  }
0x1d9: {  	_ = 	snop  }
0x1da: {  	[tilespmem:s10], [sflag:$0x1] =	stream.indirect.gather [hbm4b:s6+s7], $0x40, s9, s7, $0xb8;
	[tilespmem:$0x19640] =	vst v63  }
0x1db: {  	s1 =	rddreg [dreg:$0xa]  }
0x1dc: {  	[tilespmem:s12], [sflag:$0x1] =	stream.indirect.gather [hbm4b:s6+s7], $0x40, s11, s7, $0xb8;
	[tilespmem:$0x19640] =	vst v63  }
0x1dd: {  	s9 =	rddreg [dreg:$0xb]  }
0x1de: {  	[tilespmem:s14], [sflag:$0x1] =	stream.indirect.gather [hbm4b:s6+s7], $0x40, s13, s7, $0xb8;
	[tilespmem:$0x19640] =	vst v63  }
0x1df: {  	s10 =	rddreg [dreg:$0xd]  }
0x1e0: {  	[tilespmem:s16], [sflag:$0x1] =	stream.indirect.gather [hbm4b:s6+s7], $0x40, s15, s7, $0xb8;
	[tilespmem:$0x19640] =	vst v63  }
0x1e1: {  	s11 =	rddreg [dreg:$0xc]  }
0x1e2: {  	[tilespmem:s23], [sflag:$0x1] =	stream.indirect.gather [hbm4b:s6+s7], $0x40, s21, s7, $0xb8;
	[tilespmem:$0x19640] =	vst v63  }
0x1e3: {  	s12 =	rddreg [dreg:$0xf]  }
0x1e4: {  	[tilespmem:s25], [sflag:$0x1] =	stream.indirect.gather [hbm4b:s6+s7], $0x40, s24, s7, $0xb8;
	[tilespmem:$0x19640] =	vst v63  }
0x1e5: {  	s13 =	rddreg [dreg:$0xe]  }
0x1e6: {  	[tilespmem:s29], [sflag:$0x1] =	stream.indirect.gather [hbm4b:s6+s7], $0x40, s26, s7, $0xb8;
	[tilespmem:$0x19640] =	vst v63  }
0x1e7: {  	s14 =	rddreg [dreg:$0x11]  }
0x1e8: {  	[tilespmem:s31], [sflag:$0x1] =	stream.indirect.gather [hbm4b:s6+s7], $0x40, s30, s7, $0xb8;
	[tilespmem:$0x19640] =	vst v63  }
0x1e9: {  	s15 =	rddreg [dreg:$0x10]  }
0x1ea: {  	[tilespmem:s9], [sflag:$0x1] =	stream.indirect.gather [hbm4b:s6+s7], $0x40, s1, s7, $0xb8;
	[tilespmem:$0x19640] =	vst v63  }
0x1eb: {  	s16 =	rddreg [dreg:$0x13]  }
0x1ec: {  	[tilespmem:s10], [sflag:$0x1] =	stream.indirect.gather [hbm4b:s6+s7], $0x40, s11, s7, $0xb8;
	[tilespmem:$0x19640] =	vst v63  }
0x1ed: {  	s21 =	rddreg [dreg:$0x12]  }
0x1ee: {  	[tilespmem:s12], [sflag:$0x1] =	stream.indirect.gather [hbm4b:s6+s7], $0x40, s13, s7, $0xb8;
	[tilespmem:$0x19640] =	vst v63  }
0x1ef: {  	s23 =	rddreg [dreg:$0x15]  }
0x1f0: {  	[tilespmem:s14], [sflag:$0x1] =	stream.indirect.gather [hbm4b:s6+s7], $0x40, s15, s7, $0xb8;
	[tilespmem:$0x19640] =	vst v63  }
0x1f1: {  	s24 =	rddreg [dreg:$0x14]  }
0x1f2: {  	[tilespmem:s16], [sflag:$0x1] =	stream.indirect.gather [hbm4b:s6+s7], $0x40, s21, s7, $0xb8;
	[tilespmem:$0x19640] =	vst v63  }
0x1f3: {  	s25 =	rddreg [dreg:$0x17]  }
0x1f4: {  	[tilespmem:s23], [sflag:$0x1] =	stream.indirect.gather [hbm4b:s6+s7], $0x40, s24, s7, $0xb8;
	[tilespmem:$0x19640] =	vst v63  }
0x1f5: {  	s26 =	rddreg [dreg:$0x16]  }
0x1f6: {  	[tilespmem:s25], [sflag:$0x1] =	stream.indirect.gather [hbm4b:s6+s7], $0x40, s26, s7, $0xb8;
	[tilespmem:$0x19640] =	vst v63  }
0x1f7: {  	s28 =	rddreg [dreg:$0x18]  }
0x1f8: {  	[tilespmem:s19], [sflag:$0x1] =	stream.indirect.gather [hbm4b:s6+s7], $0x40, s28, s7, $0xb8;
	[tilespmem:$0x19640] =	vst v63  }
0x1f9: {  	_ = 	snop  }
0x1fa: {  	[tilespmem:s22], [sflag:$0x1] =	stream.indirect.gather [hbm4b:s6+s7], $0x40, s20, s7, $0xb8;
	[tilespmem:$0x19640] =	vst v63  }
0x1fb: {  	s29 =	simm.s32 $0x18240  }
0x1fc: {  	[tilespmem:s29], [sflag:$0x1] =	stream.indirect.gather [hbm4b:s6+s7], $0x40, s17, s7, $0xb8;
	[tilespmem:$0x19640] =	vst v63  }
0x1fd: {  	_ =	swait.ge [sflag:s5], $0x1400  }
0x1fe: {  	[sflag:s5] =	ssyncset.done $0x0  }
0x1ff: {  	[sflag:s5] =	ssyncadd.s32 $0xFFFFEC00  }
0x200: {  	_ =	swait.ge [sflag:s5], $0x1400  }
0x201: {  	[sflag:s5] =	ssyncset.done $0x0  }
0x202: {  	[sflag:s5] =	ssyncadd.s32 $0xFFFFEC00  }
0x203: {  	_ =	swait.ge [sflag:s5], $0x1400  }
0x204: {  	[sflag:s5] =	ssyncset.done $0x0  }
0x205: {  	[sflag:s5] =	ssyncadd.s32 $0xFFFFEC00  }
0x206: {  	_ =	swait.ge [sflag:s5], $0x1400  }
0x207: {  	[sflag:s5] =	ssyncset.done $0x0  }
0x208: {  	[sflag:s5] =	ssyncadd.s32 $0xFFFFEC00  }
0x209: {  	_ =	swait.ge [sflag:s5], $0x1400  }
0x20a: {  	[sflag:s5] =	ssyncset.done $0x0  }
0x20b: {  	[sflag:s5] =	ssyncadd.s32 $0xFFFFEC00  }
0x20c: {  	_ =	swait.ge [sflag:s5], $0x1400  }
0x20d: {  	[sflag:s5] =	ssyncset.done $0x0  }
0x20e: {  	[sflag:s5] =	ssyncadd.s32 $0xFFFFEC00  }
0x20f: {  	_ =	swait.ge [sflag:s5], $0x1400  }
0x210: {  	[sflag:s5] =	ssyncset.done $0x0  }
0x211: {  	[sflag:s5] =	ssyncadd.s32 $0xFFFFEC00  }
0x212: {  	_ =	swait.ge [sflag:s5], $0x1400  }
0x213: {  	[sflag:s5] =	ssyncset.done $0x0  }
0x214: {  	[sflag:s5] =	ssyncadd.s32 $0xFFFFEC00  }
0x215: {  	_ =	swait.ge [sflag:s5], $0x1400  }
0x216: {  	[sflag:s5] =	ssyncset.done $0x0  }
0x217: {  	[sflag:s5] =	ssyncadd.s32 $0xFFFFEC00  }
0x218: {  	_ =	swait.ge [sflag:s5], $0x1400  }
0x219: {  	[sflag:s5] =	ssyncset.done $0x0  }
0x21a: {  	[sflag:s5] =	ssyncadd.s32 $0xFFFFEC00  }
0x21b: {  	_ =	swait.ge [sflag:s5], $0x1400  }
0x21c: {  	[sflag:s5] =	ssyncset.done $0x0  }
0x21d: {  	[sflag:s5] =	ssyncadd.s32 $0xFFFFEC00  }
0x21e: {  	_ =	swait.ge [sflag:s5], $0x1400  }
0x21f: {  	[sflag:s5] =	ssyncset.done $0x0  }
0x220: {  	[sflag:s5] =	ssyncadd.s32 $0xFFFFEC00  }
0x221: {  	_ =	swait.ge [sflag:s5], $0x1400  }
0x222: {  	[sflag:s5] =	ssyncset.done $0x0  }
0x223: {  	[sflag:s5] =	ssyncadd.s32 $0xFFFFEC00  }
0x224: {  	_ =	swait.ge [sflag:s5], $0x1400  }
0x225: {  	[sflag:s5] =	ssyncset.done $0x0  }
0x226: {  	[sflag:s5] =	ssyncadd.s32 $0xFFFFEC00  }
0x227: {  	_ =	swait.ge [sflag:s5], $0x1400  }
0x228: {  	[sflag:s5] =	ssyncset.done $0x0  }
0x229: {  	[sflag:s5] =	ssyncadd.s32 $0xFFFFEC00  }
0x22a: {  	_ =	swait.ge [sflag:s5], $0x1400  }
0x22b: {  	[sflag:s5] =	ssyncset.done $0x0  }
0x22c: {  	[sflag:s5] =	ssyncadd.s32 $0xFFFFEC00  }
0x22d: {  	_ =	swait.ge [sflag:s5], $0x1400  }
0x22e: {  	[sflag:s5] =	ssyncset.done $0x0  }
0x22f: {  	[sflag:s5] =	ssyncadd.s32 $0xFFFFEC00  }
0x230: {  	_ =	swait.ge [sflag:s5], $0x1400  }
0x231: {  	[sflag:s5] =	ssyncset.done $0x0  }
0x232: {  	[sflag:s5] =	ssyncadd.s32 $0xFFFFEC00  }
0x233: {  	_ =	swait.ge [sflag:s5], $0x1400  }
0x234: {  	[sflag:s5] =	ssyncset.done $0x0  }
0x235: {  	[sflag:s5] =	ssyncadd.s32 $0xFFFFEC00  }
0x236: {  	_ =	swait.ge [sflag:s5], $0x1400  }
0x237: {  	[sflag:s5] =	ssyncset.done $0x0  }
0x238: {  	s30 =	rddreg [dreg:$0x8];
	[sflag:s5] =	ssyncadd.s32 $0xFFFFEC00  }
0x239: {  	[hbm4b:s30+s2] =	stream.linear.scatter [tilespmem:s4], [sflag:$0x2], $0x19000, $0x38;
	[tilespmem:$0x19640] =	vst v63  }
0x23a: {  	_ =	swait.ge [sflag:s3], $0x19000  }
0x23b: {  	[sflag:s3] =	ssyncset.done $0x0  }
0x23c: {  	[sflag:s3] =	ssyncadd.s32 $0xFFFE7000  }
0x23d: {  	_ =	sfence.sel $0x180000  }
0x23e: {  	s31 =	stileid.u32;
	[bflag:$0x0] =	sbarrier.arrive $0xFFFF  }
0x23f: {  	p0 =	sne.s32 s31, $0x0;
	_ =	strace $0x90000047  }
0x240: {  	s0 =	sadd.s32 @!p0 $0x100000, s18;
	[bflag:$0x2] =	sbarrier.arrive $0xFFFF  }
0x241: {  	[sflag:s0] =	ssyncadd.tile.s32 @!p0 $0x1;
	_ =	shalt  }
.LBB2_1:
.Ltmp3:
0x242: {  	(pc) =	sbr.rel .LBB2_6-.Ltmp3, $2  }
0x243: {  	_ =	sdelay $0x2  }
0x244: {  	s17 =	simm.s32 $0x5F0  }
.LBB2_3:
.Ltmp4:
0x245: {  	(pc) =	sbr.rel .LBB2_6-.Ltmp4, $2  }
0x246: {  	_ =	sdelay $0x2  }
0x247: {  	s17 =	simm.s32 $0x5F0;
	s18 =	rddreg [dreg:$0x2]  }
.Lfunc_end2:
_tile_overlayer_lowered:
.L_overlay_start_2:
0x248: {  	(tag) =	ssettag $0x2  }
0x249: {  	s0 =	rddreg [dreg:$0x0];
	s2 =	stileid.u32  }
0x24a: {  	s1 =	rddreg [dreg:$0x1];
	p0 =	sne.s32 s2, $0x0  }
0x24b: {  	s3 =	rddreg [dreg:$0x2];
	[bflag:$0x3] =	sbarrier.arrive $0xFFFF;
	s2 =	simm.s32 @!p0 $0x1C02  }
0x24c: {  	[timem:s3], [sflag:s2] =	dma.local @!p0 [hbm:s0], s1  }
0x24d: {  	s0 =	simm.s32 @!p0 $0x2  }
0x24e: {  	_ =	swait.ge @!p0 [sflag:s0], s1  }
0x24f: {  	s1 =	ssub.s32 @!p0 $0x0, s1;
	[sflag:s0] =	ssyncset.done @!p0 $0x0  }
0x250: {  	[sflag:s0] =	ssyncadd.s32 @!p0 s1  }
0x251: {  	[bflag:$0x3] =	sbarrier.arrive $0xFFFF  }
0x252: {  	_ =	shalt  }

</sc_bundles>
